<compile_context>
chip_gen: v7x
topology: tpu7x:2x2x1
jax: 0.10.2.dev20260603
libtpu: 0.0.44.dev20260713+nightly
codegen_flags: <defaults>
</compile_context>

<pallas_src>
import functools

import jax
import jax.numpy as jnp
from jax import lax
from jax.experimental import pallas as pl
from jax.experimental.pallas import tpu as pltpu
from jax.experimental.pallas import tpu_sc as plsc

_NB_ROWS = 2304
_CH = 96

_DN_T = (((1,), (1,)), ((), ()))


def _argmin_tail(dist, kdim, idx_ref):
    m = jnp.min(dist, axis=1, keepdims=True)
    ids = lax.broadcasted_iota(jnp.int32, dist.shape, 1).astype(jnp.float32)
    idx = jnp.min(jnp.where(dist == m, ids, float(kdim)), axis=1)
    idx_ref[0, 0, :] = idx.astype(jnp.int32)
    return jnp.sum(m)


def _stage0_body(e2_ref, x_ref, cb_ref, idx_ref, part_ref, *, kdim):
    x = x_ref[...]
    x2 = jnp.sum(x * x, axis=1, keepdims=True)
    xe2 = lax.dot_general(x * -2.0, cb_ref[...], _DN_T,
                          preferred_element_type=jnp.float32)
    dist = (x2 + e2_ref[...]) + xe2
    s = _argmin_tail(dist, kdim, idx_ref)
    i = pl.program_id(0)

    @pl.when(i == 0)
    def _():
        part_ref[0, 0] = s

    @pl.when(i != 0)
    def _():
        part_ref[0, 0] += s


def _stage1_body(e2_ref, x_ref, q0_ref, cb_ref, p0_ref, idx_ref, part_ref, *,
                 kdim, grid, scale):
    r = x_ref[...] - q0_ref[...]
    r2 = jnp.sum(r * r, axis=1, keepdims=True)
    xe2 = lax.dot_general(r * -2.0, cb_ref[...], _DN_T,
                          preferred_element_type=jnp.float32)
    dist = (r2 + e2_ref[...]) + xe2
    s = _argmin_tail(dist, kdim, idx_ref)
    i = pl.program_id(0)

    @pl.when(i == 0)
    def _():
        part_ref[0, 0] = s

    @pl.when(i != 0)
    def _():
        part_ref[0, 0] += s

    @pl.when(i == grid - 1)
    def _():
        part_ref[0, 0] = 1.25 * (part_ref[0, 0] + p0_ref[0, 0]) * scale


def _tc_stage(e2, x, q0, cb, p0):
    n, d = x.shape
    k = cb.shape[0]
    nb = _NB_ROWS
    grid = n // nb
    row_spec = pl.BlockSpec((nb, d), lambda i: (i, 0))
    smem_spec = pl.BlockSpec((1, 1), lambda i: (0, 0), memory_space=pltpu.SMEM)
    in_specs = [
        pl.BlockSpec((1, k), lambda i: (0, 0)),
        row_spec,
    ]
    args = [e2, x]
    if q0 is None:
        body = functools.partial(_stage0_body, kdim=k)
    else:
        body = functools.partial(_stage1_body, kdim=k, grid=grid,
                                 scale=1.0 / float(n * d))
        in_specs.append(row_spec)
        args.append(q0)
    in_specs.append(pl.BlockSpec((k, d), lambda i: (0, 0)))
    args.append(cb)
    if q0 is not None:
        in_specs.append(smem_spec)
        args.append(p0)
    idx, part = pl.pallas_call(
        body,
        grid=(grid,),
        in_specs=in_specs,
        out_specs=[
            pl.BlockSpec((1, 1, nb), lambda i: (i, 0, 0)),
            smem_spec,
        ],
        out_shape=[
            jax.ShapeDtypeStruct((grid, 1, nb), jnp.int32),
            jax.ShapeDtypeStruct((1, 1), jnp.float32),
        ],
    )(*args)
    return idx.reshape(n), part




def _sc_gather(cb, idx):
    info = plsc.get_sparse_core_info()
    ncores, nsub = info.num_cores, info.num_subcores
    nw = ncores * nsub
    n = idx.shape[0]
    d = cb.shape[1]
    rows_w = n // nw
    ch = _CH
    nch = rows_w // ch
    mesh = plsc.VectorSubcoreMesh(core_axis_name="c", subcore_axis_name="s")

    @functools.partial(
        pl.kernel,
        out_type=jax.ShapeDtypeStruct((n, d), jnp.float32),
        mesh=mesh,
        scratch_types=[
            pltpu.VMEM((ch,), jnp.int32),
            pltpu.VMEM((ch, d), jnp.float32),
            pltpu.SemaphoreType.DMA,
        ],
    )
    def k(cb_hbm, idx_hbm, out_hbm, idx_v, rows_v, sem):
        wid = lax.axis_index("s") * ncores + lax.axis_index("c")
        base = wid * rows_w
        for c in range(nch):
            off = base + c * ch
            pltpu.sync_copy(idx_hbm.at[pl.ds(off, ch)], idx_v)
            pltpu.async_copy(cb_hbm.at[idx_v], rows_v, sem).wait()
            pltpu.sync_copy(rows_v, out_hbm.at[pl.ds(off, ch)])

    return k(cb, idx)


def _sc_gather_add(cb, idx, prev):
    info = plsc.get_sparse_core_info()
    ncores, nsub = info.num_cores, info.num_subcores
    nw = ncores * nsub
    n = idx.shape[0]
    d = cb.shape[1]
    rows_w = n // nw
    ch = _CH
    nch = rows_w // ch
    mesh = plsc.VectorSubcoreMesh(core_axis_name="c", subcore_axis_name="s")

    @functools.partial(
        pl.kernel,
        out_type=jax.ShapeDtypeStruct((n, d), jnp.float32),
        mesh=mesh,
        scratch_types=[
            pltpu.VMEM((ch,), jnp.int32),
            pltpu.VMEM((ch, d), jnp.float32),
            pltpu.VMEM((ch, d), jnp.float32),
            pltpu.SemaphoreType.DMA,
        ],
    )
    def k(cb_hbm, idx_hbm, prev_hbm, out_hbm, idx_v, rows_v, acc_v, sem):
        wid = lax.axis_index("s") * ncores + lax.axis_index("c")
        base = wid * rows_w
        for c in range(nch):
            off = base + c * ch
            pltpu.sync_copy(idx_hbm.at[pl.ds(off, ch)], idx_v)
            cp = pltpu.async_copy(cb_hbm.at[idx_v], rows_v, sem)
            pltpu.sync_copy(prev_hbm.at[pl.ds(off, ch)], acc_v)
            cp.wait()

            def body(rr, carry):
                for j in range(d // 16):
                    sl = pl.ds(j * 16, 16)
                    plsc.addupdate(acc_v.at[rr, sl], rows_v[rr, sl])
                return carry

            lax.fori_loop(0, ch, body, 0)
            pltpu.sync_copy(acc_v, out_hbm.at[pl.ds(off, ch)])

    return k(cb, idx, prev)




def kernel(x, cb0, cb1):
    b, t, d = x.shape
    n = b * t
    xf = x.reshape(n, d)

    e2_0 = (cb0 ** 2).sum(axis=1)[None, :]
    idx0, part0 = _tc_stage(e2_0, xf, None, cb0, None)

    q0 = _sc_gather(cb0, idx0)

    e2_1 = (cb1 ** 2).sum(axis=1)[None, :]
    idx1, loss = _tc_stage(e2_1, xf, q0, cb1, part0)

    qt = _sc_gather_add(cb1, idx1, q0)

    quantized = qt.reshape(b, t, d)
    codes = jnp.stack([idx0.reshape(b, t), idx1.reshape(b, t)], axis=0)
    return quantized, codes, loss.reshape(())

# --- scband reference (transcript-rebuilt; emitter-appended) ---
"""Pipeline reference for scband-rvqbottleneck-16312285791125 (READ-ONLY COPY).

The authoritative reference and input builder live on the scoring server;
editing this copy changes nothing except your own understanding.
"""

import jax, jax.numpy as jnp
import numpy as np

B, T, D = 16, 576, 256
STAGE_SIZES = [1024, 1024]  # bits_total=20 split into [10, 10] -> 2**10 each
COMMITMENT = 0.25


def setup_inputs(seed: int = 0) -> dict:
    key = jax.random.key(seed)
    kx, k0, k1 = jax.random.split(key, 3)
    x = jax.random.normal(kx, (B, T, D), dtype=jnp.float32)
    # nn.Embedding weights initialized with normal(mean=0, std=0.02)
    cb0 = jax.random.normal(k0, (STAGE_SIZES[0], D), dtype=jnp.float32) * 0.02
    cb1 = jax.random.normal(k1, (STAGE_SIZES[1], D), dtype=jnp.float32) * 0.02
    return {"x": x, "cb0": cb0, "cb1": cb1}


def _quantize_one(x_flat, e):
    # x_flat: [N, D], e: [K, D]
    x2 = (x_flat ** 2).sum(axis=1, keepdims=True)          # [N, 1]
    e2 = (e ** 2).sum(axis=1)[None, :]                      # [1, K]
    xe = x_flat @ e.T                                       # [N, K]
    dist = x2 + e2 - 2.0 * xe
    idx = jnp.argmin(dist, axis=1)                          # [N]
    q = jnp.take(e, idx, axis=0)                            # [N, D] (embedding gather)
    return q, idx


def reference(x, cb0, cb1):
    b, t, d = x.shape
    residual = x
    q_total = jnp.zeros_like(x)
    codes = []
    loss = jnp.zeros((), jnp.float32)
    for e in (cb0, cb1):
        rf = residual.reshape(b * t, d)
        q, idx = _quantize_one(rf, e)
        q = q.reshape(b, t, d)
        codes.append(idx.reshape(b, t))
        # commitment loss (pull encoder toward codes) + codebook loss (pull codes toward encoder)
        loss = loss + COMMITMENT * jnp.mean((jax.lax.stop_gradient(q) - residual) ** 2) \
                    + jnp.mean((q - jax.lax.stop_gradient(residual)) ** 2)
        residual = residual - jax.lax.stop_gradient(q)
        q_total = q_total + q
    # straight-through estimator output
    quantized = x + jax.lax.stop_gradient(q_total - x)
    codes_out = jnp.stack(codes, axis=0)  # [num_codebooks, B, T]
    return quantized, codes_out, loss

if __name__ == "__main__":
    import jax
    _d = setup_inputs()
    print(jax.jit(kernel)(*tuple(_d.values())))

</pallas_src>

<mosaic_0001>
#map = affine_map<(d0, d1) -> (0, 0)>
#map1 = affine_map<(d0, d1) -> (0)>
module attributes {stable_mosaic.version = 14 : i64} {
  func.func @k(%arg0: i32, %arg1: i32, %arg2: memref<1024x256xf32, #tpu.memory_space<hbm>>, %arg3: memref<9216xi32, #tpu.memory_space<hbm>>, %arg4: memref<9216x256xf32, #tpu.memory_space<hbm>>, %arg5: memref<9216x256xf32, #tpu.memory_space<hbm>>, %arg6: memref<96xi32, #tpu.memory_space<vmem>>, %arg7: memref<96x256xf32, #tpu.memory_space<vmem>>, %arg8: memref<96x256xf32, #tpu.memory_space<vmem>>, %arg9: memref<!tpu.dma_semaphore, #tpu.memory_space<semaphore_mem>>) attributes {dimension_semantics = [#tpu.dimension_semantics<core_parallel>, #tpu.dimension_semantics<subcore_parallel>], iteration_bounds = array<i64: 2, 16>, scalar_prefetch = 0 : i64, scratch_operands = 4 : i64, tpu.core_type = #tpu.core_type<sc_vector_subcore>, window_params = [{transform_indices = #map}, {transform_indices = #map1}, {transform_indices = #map}, {transform_indices = #map}]} {
    %mul3A = arith.constant 2 : i32
    %mul3A_0 = arith.muli %arg1, %mul3A : i32
    %add3A = arith.addi %mul3A_0, %arg0 : i32
    %mul3A_1 = arith.constant 288 : i32
    %mul3A_2 = arith.muli %add3A, %mul3A_1 : i32
    %add3A_3 = arith.constant 0 : i32
    %add3A_4 = arith.addi %mul3A_2, %add3A_3 : i32
    "tpu.region"() ({
      %run_scoped3A = tpu.sem_alloc : memref<!tpu.dma_semaphore, #tpu.memory_space<semaphore_mem>>
      %dma_start3A_42 = tpu.memref_slice %arg3[%add3A_4] : memref<9216xi32, #tpu.memory_space<hbm>> -> memref<96xi32, #tpu.memory_space<hbm>>
      %dma_start3A_43 = tpu.memref_slice %arg3[%add3A_4] : memref<9216xi32, #tpu.memory_space<hbm>> -> memref<96xi32, #tpu.memory_space<hbm>>
      tpu.enqueue_dma source(%dma_start3A_43 : memref<96xi32, #tpu.memory_space<hbm>>) target(%arg6 : memref<96xi32, #tpu.memory_space<vmem>>) target_semaphore(%run_scoped3A : memref<!tpu.dma_semaphore, #tpu.memory_space<semaphore_mem>>)
      %dma_wait3A_44 = tpu.memref_slice %arg3[%add3A_4] : memref<9216xi32, #tpu.memory_space<hbm>> -> memref<96xi32, #tpu.memory_space<hbm>>
      %dma_wait3A_45 = tpu.memref_slice %arg3[%add3A_4] : memref<9216xi32, #tpu.memory_space<hbm>> -> memref<96xi32, #tpu.memory_space<hbm>>
      tpu.wait_dma2 semaphore(%run_scoped3A : memref<!tpu.dma_semaphore, #tpu.memory_space<semaphore_mem>>) src(%dma_wait3A_45 : memref<96xi32, #tpu.memory_space<hbm>>) dst(%arg6 : memref<96xi32, #tpu.memory_space<vmem>>)
      tpu.yield
    }) : () -> ()
    %dma_start3A = arith.constant 0 : i32
    %dma_start3A_5 = arith.constant 0 : i32
    %dma_start3A_6 = tpu.memref_slice %arg2[%dma_start3A, %dma_start3A_5] : memref<1024x256xf32, #tpu.memory_space<hbm>> -> memref<1024x256xf32, #tpu.memory_space<hbm>>
    tpu.enqueue_indirect_dma source(%dma_start3A_6 : memref<1024x256xf32, #tpu.memory_space<hbm>>) target(%arg7 : memref<96x256xf32, #tpu.memory_space<vmem>>) offsets(%arg6 : memref<96xi32, #tpu.memory_space<vmem>>) semaphore(%arg9 : memref<!tpu.dma_semaphore, #tpu.memory_space<semaphore_mem>>)
    "tpu.region"() ({
      %run_scoped3A = tpu.sem_alloc : memref<!tpu.dma_semaphore, #tpu.memory_space<semaphore_mem>>
      %dma_start3A_42 = arith.constant 0 : i32
      %dma_start3A_43 = tpu.memref_slice %arg4[%add3A_4, %dma_start3A_42] : memref<9216x256xf32, #tpu.memory_space<hbm>> -> memref<96x256xf32, #tpu.memory_space<hbm>>
      %dma_start3A_44 = arith.constant 0 : i32
      %dma_start3A_45 = tpu.memref_slice %arg4[%add3A_4, %dma_start3A_44] : memref<9216x256xf32, #tpu.memory_space<hbm>> -> memref<96x256xf32, #tpu.memory_space<hbm>>
      tpu.enqueue_dma source(%dma_start3A_45 : memref<96x256xf32, #tpu.memory_space<hbm>>) target(%arg8 : memref<96x256xf32, #tpu.memory_space<vmem>>) target_semaphore(%run_scoped3A : memref<!tpu.dma_semaphore, #tpu.memory_space<semaphore_mem>>)
      %dma_wait3A_46 = arith.constant 0 : i32
      %dma_wait3A_47 = tpu.memref_slice %arg4[%add3A_4, %dma_wait3A_46] : memref<9216x256xf32, #tpu.memory_space<hbm>> -> memref<96x256xf32, #tpu.memory_space<hbm>>
      %dma_wait3A_48 = arith.constant 0 : i32
      %dma_wait3A_49 = tpu.memref_slice %arg4[%add3A_4, %dma_wait3A_48] : memref<9216x256xf32, #tpu.memory_space<hbm>> -> memref<96x256xf32, #tpu.memory_space<hbm>>
      tpu.wait_dma2 semaphore(%run_scoped3A : memref<!tpu.dma_semaphore, #tpu.memory_space<semaphore_mem>>) src(%dma_wait3A_49 : memref<96x256xf32, #tpu.memory_space<hbm>>) dst(%arg8 : memref<96x256xf32, #tpu.memory_space<vmem>>)
      tpu.yield
    }) : () -> ()
    %dma_wait3A = arith.constant 0 : i32
    %dma_wait3A_7 = arith.constant 0 : i32
    %dma_wait3A_8 = tpu.memref_slice %arg2[%dma_wait3A, %dma_wait3A_7] : memref<1024x256xf32, #tpu.memory_space<hbm>> -> memref<1024x256xf32, #tpu.memory_space<hbm>>
    tpu.wait_indirect_dma semaphore(%arg9 : memref<!tpu.dma_semaphore, #tpu.memory_space<semaphore_mem>>) src(%dma_wait3A_8 : memref<1024x256xf32, #tpu.memory_space<hbm>>) dst(%arg7 : memref<96x256xf32, #tpu.memory_space<vmem>>)
    %scan3A = arith.constant 0 : i32
    %scan3A_9 = arith.constant 0 : i32
    %scan3A_10 = arith.constant 96 : i32
    %scan3A_11 = arith.addi %scan3A_9, %scan3A_10 : i32
    %scan3A_12 = arith.constant 1 : i32
    scf.for %scan3A_42 = %scan3A_9 to %scan3A_11 step %scan3A_12  : i32 {
      %get3A = arith.index_cast %scan3A_42 : i32 to index
      %get3A_43 = arith.constant 0 : index
      %get3A_44 = tpu.vector_load %arg7[%get3A, %get3A_43] {strides = array<i32>} : memref<96x256xf32, #tpu.memory_space<vmem>>, vector<1x16xf32>,
      %get3A_45 = vector.shape_cast %get3A_44 : vector<1x16xf32> to vector<16xf32>
      %swap3A = arith.index_cast %scan3A_42 : i32 to index
      %swap3A_46 = arith.constant 0 : index
      %swap3A_47 = tpu.vector_load %arg8[%swap3A, %swap3A_46] {strides = array<i32>} : memref<96x256xf32, #tpu.memory_space<vmem>>, vector<1x16xf32>,
      %swap3A_48 = vector.shape_cast %swap3A_47 : vector<1x16xf32> to vector<16xf32>
      %swap3A_49 = vector.shape_cast %get3A_45 : vector<16xf32> to vector<1x16xf32>
      tpu.vector_store %arg8[%swap3A, %swap3A_46], %swap3A_49 {add = true, strides = array<i32>} : memref<96x256xf32, #tpu.memory_space<vmem>>, vector<1x16xf32>,
      %get3A_50 = arith.index_cast %scan3A_42 : i32 to index
      %get3A_51 = arith.constant 16 : index
      %get3A_52 = tpu.vector_load %arg7[%get3A_50, %get3A_51] {strides = array<i32>} : memref<96x256xf32, #tpu.memory_space<vmem>>, vector<1x16xf32>,
      %get3A_53 = vector.shape_cast %get3A_52 : vector<1x16xf32> to vector<16xf32>
      %swap3A_54 = arith.index_cast %scan3A_42 : i32 to index
      %swap3A_55 = arith.constant 16 : index
      %swap3A_56 = tpu.vector_load %arg8[%swap3A_54, %swap3A_55] {strides = array<i32>} : memref<96x256xf32, #tpu.memory_space<vmem>>, vector<1x16xf32>,
      %swap3A_57 = vector.shape_cast %swap3A_56 : vector<1x16xf32> to vector<16xf32>
      %swap3A_58 = vector.shape_cast %get3A_53 : vector<16xf32> to vector<1x16xf32>
      tpu.vector_store %arg8[%swap3A_54, %swap3A_55], %swap3A_58 {add = true, strides = array<i32>} : memref<96x256xf32, #tpu.memory_space<vmem>>, vector<1x16xf32>,
      %get3A_59 = arith.index_cast %scan3A_42 : i32 to index
      %get3A_60 = arith.constant 32 : index
      %get3A_61 = tpu.vector_load %arg7[%get3A_59, %get3A_60] {strides = array<i32>} : memref<96x256xf32, #tpu.memory_space<vmem>>, vector<1x16xf32>,
      %get3A_62 = vector.shape_cast %get3A_61 : vector<1x16xf32> to vector<16xf32>
      %swap3A_63 = arith.index_cast %scan3A_42 : i32 to index
      %swap3A_64 = arith.constant 32 : index
      %swap3A_65 = tpu.vector_load %arg8[%swap3A_63, %swap3A_64] {strides = array<i32>} : memref<96x256xf32, #tpu.memory_space<vmem>>, vector<1x16xf32>,
      %swap3A_66 = vector.shape_cast %swap3A_65 : vector<1x16xf32> to vector<16xf32>
      %swap3A_67 = vector.shape_cast %get3A_62 : vector<16xf32> to vector<1x16xf32>
      tpu.vector_store %arg8[%swap3A_63, %swap3A_64], %swap3A_67 {add = true, strides = array<i32>} : memref<96x256xf32, #tpu.memory_space<vmem>>, vector<1x16xf32>,
      %get3A_68 = arith.index_cast %scan3A_42 : i32 to index
      %get3A_69 = arith.constant 48 : index
      %get3A_70 = tpu.vector_load %arg7[%get3A_68, %get3A_69] {strides = array<i32>} : memref<96x256xf32, #tpu.memory_space<vmem>>, vector<1x16xf32>,
      %get3A_71 = vector.shape_cast %get3A_70 : vector<1x16xf32> to vector<16xf32>
      %swap3A_72 = arith.index_cast %scan3A_42 : i32 to index
      %swap3A_73 = arith.constant 48 : index
      %swap3A_74 = tpu.vector_load %arg8[%swap3A_72, %swap3A_73] {strides = array<i32>} : memref<96x256xf32, #tpu.memory_space<vmem>>, vector<1x16xf32>,
      %swap3A_75 = vector.shape_cast %swap3A_74 : vector<1x16xf32> to vector<16xf32>
      %swap3A_76 = vector.shape_cast %get3A_71 : vector<16xf32> to vector<1x16xf32>
      tpu.vector_store %arg8[%swap3A_72, %swap3A_73], %swap3A_76 {add = true, strides = array<i32>} : memref<96x256xf32, #tpu.memory_space<vmem>>, vector<1x16xf32>,
      %get3A_77 = arith.index_cast %scan3A_42 : i32 to index
      %get3A_78 = arith.constant 64 : index
      %get3A_79 = tpu.vector_load %arg7[%get3A_77, %get3A_78] {strides = array<i32>} : memref<96x256xf32, #tpu.memory_space<vmem>>, vector<1x16xf32>,
      %get3A_80 = vector.shape_cast %get3A_79 : vector<1x16xf32> to vector<16xf32>
      %swap3A_81 = arith.index_cast %scan3A_42 : i32 to index
      %swap3A_82 = arith.constant 64 : index
      %swap3A_83 = tpu.vector_load %arg8[%swap3A_81, %swap3A_82] {strides = array<i32>} : memref<96x256xf32, #tpu.memory_space<vmem>>, vector<1x16xf32>,
      %swap3A_84 = vector.shape_cast %swap3A_83 : vector<1x16xf32> to vector<16xf32>
      %swap3A_85 = vector.shape_cast %get3A_80 : vector<16xf32> to vector<1x16xf32>
      tpu.vector_store %arg8[%swap3A_81, %swap3A_82], %swap3A_85 {add = true, strides = array<i32>} : memref<96x256xf32, #tpu.memory_space<vmem>>, vector<1x16xf32>,
      %get3A_86 = arith.index_cast %scan3A_42 : i32 to index
      %get3A_87 = arith.constant 80 : index
      %get3A_88 = tpu.vector_load %arg7[%get3A_86, %get3A_87] {strides = array<i32>} : memref<96x256xf32, #tpu.memory_space<vmem>>, vector<1x16xf32>,
      %get3A_89 = vector.shape_cast %get3A_88 : vector<1x16xf32> to vector<16xf32>
      %swap3A_90 = arith.index_cast %scan3A_42 : i32 to index
      %swap3A_91 = arith.constant 80 : index
      %swap3A_92 = tpu.vector_load %arg8[%swap3A_90, %swap3A_91] {strides = array<i32>} : memref<96x256xf32, #tpu.memory_space<vmem>>, vector<1x16xf32>,
      %swap3A_93 = vector.shape_cast %swap3A_92 : vector<1x16xf32> to vector<16xf32>
      %swap3A_94 = vector.shape_cast %get3A_89 : vector<16xf32> to vector<1x16xf32>
      tpu.vector_store %arg8[%swap3A_90, %swap3A_91], %swap3A_94 {add = true, strides = array<i32>} : memref<96x256xf32, #tpu.memory_space<vmem>>, vector<1x16xf32>,
      %get3A_95 = arith.index_cast %scan3A_42 : i32 to index
      %get3A_96 = arith.constant 96 : index
      %get3A_97 = tpu.vector_load %arg7[%get3A_95, %get3A_96] {strides = array<i32>} : memref<96x256xf32, #tpu.memory_space<vmem>>, vector<1x16xf32>,
      %get3A_98 = vector.shape_cast %get3A_97 : vector<1x16xf32> to vector<16xf32>
      %swap3A_99 = arith.index_cast %scan3A_42 : i32 to index
      %swap3A_100 = arith.constant 96 : index
      %swap3A_101 = tpu.vector_load %arg8[%swap3A_99, %swap3A_100] {strides = array<i32>} : memref<96x256xf32, #tpu.memory_space<vmem>>, vector<1x16xf32>,
      %swap3A_102 = vector.shape_cast %swap3A_101 : vector<1x16xf32> to vector<16xf32>
      %swap3A_103 = vector.shape_cast %get3A_98 : vector<16xf32> to vector<1x16xf32>
      tpu.vector_store %arg8[%swap3A_99, %swap3A_100], %swap3A_103 {add = true, strides = array<i32>} : memref<96x256xf32, #tpu.memory_space<vmem>>, vector<1x16xf32>,
      %get3A_104 = arith.index_cast %scan3A_42 : i32 to index
      %get3A_105 = arith.constant 112 : index
      %get3A_106 = tpu.vector_load %arg7[%get3A_104, %get3A_105] {strides = array<i32>} : memref<96x256xf32, #tpu.memory_space<vmem>>, vector<1x16xf32>,
      %get3A_107 = vector.shape_cast %get3A_106 : vector<1x16xf32> to vector<16xf32>
      %swap3A_108 = arith.index_cast %scan3A_42 : i32 to index
      %swap3A_109 = arith.constant 112 : index
      %swap3A_110 = tpu.vector_load %arg8[%swap3A_108, %swap3A_109] {strides = array<i32>} : memref<96x256xf32, #tpu.memory_space<vmem>>, vector<1x16xf32>,
      %swap3A_111 = vector.shape_cast %swap3A_110 : vector<1x16xf32> to vector<16xf32>
      %swap3A_112 = vector.shape_cast %get3A_107 : vector<16xf32> to vector<1x16xf32>
      tpu.vector_store %arg8[%swap3A_108, %swap3A_109], %swap3A_112 {add = true, strides = array<i32>} : memref<96x256xf32, #tpu.memory_space<vmem>>, vector<1x16xf32>,
      %get3A_113 = arith.index_cast %scan3A_42 : i32 to index
      %get3A_114 = arith.constant 128 : index
      %get3A_115 = tpu.vector_load %arg7[%get3A_113, %get3A_114] {strides = array<i32>} : memref<96x256xf32, #tpu.memory_space<vmem>>, vector<1x16xf32>,
      %get3A_116 = vector.shape_cast %get3A_115 : vector<1x16xf32> to vector<16xf32>
      %swap3A_117 = arith.index_cast %scan3A_42 : i32 to index
      %swap3A_118 = arith.constant 128 : index
      %swap3A_119 = tpu.vector_load %arg8[%swap3A_117, %swap3A_118] {strides = array<i32>} : memref<96x256xf32, #tpu.memory_space<vmem>>, vector<1x16xf32>,
      %swap3A_120 = vector.shape_cast %swap3A_119 : vector<1x16xf32> to vector<16xf32>
      %swap3A_121 = vector.shape_cast %get3A_116 : vector<16xf32> to vector<1x16xf32>
      tpu.vector_store %arg8[%swap3A_117, %swap3A_118], %swap3A_121 {add = true, strides = array<i32>} : memref<96x256xf32, #tpu.memory_space<vmem>>, vector<1x16xf32>,
      %get3A_122 = arith.index_cast %scan3A_42 : i32 to index
      %get3A_123 = arith.constant 144 : index
      %get3A_124 = tpu.vector_load %arg7[%get3A_122, %get3A_123] {strides = array<i32>} : memref<96x256xf32, #tpu.memory_space<vmem>>, vector<1x16xf32>,
      %get3A_125 = vector.shape_cast %get3A_124 : vector<1x16xf32> to vector<16xf32>
      %swap3A_126 = arith.index_cast %scan3A_42 : i32 to index
      %swap3A_127 = arith.constant 144 : index
      %swap3A_128 = tpu.vector_load %arg8[%swap3A_126, %swap3A_127] {strides = array<i32>} : memref<96x256xf32, #tpu.memory_space<vmem>>, vector<1x16xf32>,
      %swap3A_129 = vector.shape_cast %swap3A_128 : vector<1x16xf32> to vector<16xf32>
      %swap3A_130 = vector.shape_cast %get3A_125 : vector<16xf32> to vector<1x16xf32>
      tpu.vector_store %arg8[%swap3A_126, %swap3A_127], %swap3A_130 {add = true, strides = array<i32>} : memref<96x256xf32, #tpu.memory_space<vmem>>, vector<1x16xf32>,
      %get3A_131 = arith.index_cast %scan3A_42 : i32 to index
      %get3A_132 = arith.constant 160 : index
      %get3A_133 = tpu.vector_load %arg7[%get3A_131, %get3A_132] {strides = array<i32>} : memref<96x256xf32, #tpu.memory_space<vmem>>, vector<1x16xf32>,
      %get3A_134 = vector.shape_cast %get3A_133 : vector<1x16xf32> to vector<16xf32>
      %swap3A_135 = arith.index_cast %scan3A_42 : i32 to index
      %swap3A_136 = arith.constant 160 : index
      %swap3A_137 = tpu.vector_load %arg8[%swap3A_135, %swap3A_136] {strides = array<i32>} : memref<96x256xf32, #tpu.memory_space<vmem>>, vector<1x16xf32>,
      %swap3A_138 = vector.shape_cast %swap3A_137 : vector<1x16xf32> to vector<16xf32>
      %swap3A_139 = vector.shape_cast %get3A_134 : vector<16xf32> to vector<1x16xf32>
      tpu.vector_store %arg8[%swap3A_135, %swap3A_136], %swap3A_139 {add = true, strides = array<i32>} : memref<96x256xf32, #tpu.memory_space<vmem>>, vector<1x16xf32>,
      %get3A_140 = arith.index_cast %scan3A_42 : i32 to index
      %get3A_141 = arith.constant 176 : index
      %get3A_142 = tpu.vector_load %arg7[%get3A_140, %get3A_141] {strides = array<i32>} : memref<96x256xf32, #tpu.memory_space<vmem>>, vector<1x16xf32>,
      %get3A_143 = vector.shape_cast %get3A_142 : vector<1x16xf32> to vector<16xf32>
      %swap3A_144 = arith.index_cast %scan3A_42 : i32 to index
      %swap3A_145 = arith.constant 176 : index
      %swap3A_146 = tpu.vector_load %arg8[%swap3A_144, %swap3A_145] {strides = array<i32>} : memref<96x256xf32, #tpu.memory_space<vmem>>, vector<1x16xf32>,
      %swap3A_147 = vector.shape_cast %swap3A_146 : vector<1x16xf32> to vector<16xf32>
      %swap3A_148 = vector.shape_cast %get3A_143 : vector<16xf32> to vector<1x16xf32>
      tpu.vector_store %arg8[%swap3A_144, %swap3A_145], %swap3A_148 {add = true, strides = array<i32>} : memref<96x256xf32, #tpu.memory_space<vmem>>, vector<1x16xf32>,
      %get3A_149 = arith.index_cast %scan3A_42 : i32 to index
      %get3A_150 = arith.constant 192 : index
      %get3A_151 = tpu.vector_load %arg7[%get3A_149, %get3A_150] {strides = array<i32>} : memref<96x256xf32, #tpu.memory_space<vmem>>, vector<1x16xf32>,
      %get3A_152 = vector.shape_cast %get3A_151 : vector<1x16xf32> to vector<16xf32>
      %swap3A_153 = arith.index_cast %scan3A_42 : i32 to index
      %swap3A_154 = arith.constant 192 : index
      %swap3A_155 = tpu.vector_load %arg8[%swap3A_153, %swap3A_154] {strides = array<i32>} : memref<96x256xf32, #tpu.memory_space<vmem>>, vector<1x16xf32>,
      %swap3A_156 = vector.shape_cast %swap3A_155 : vector<1x16xf32> to vector<16xf32>
      %swap3A_157 = vector.shape_cast %get3A_152 : vector<16xf32> to vector<1x16xf32>
      tpu.vector_store %arg8[%swap3A_153, %swap3A_154], %swap3A_157 {add = true, strides = array<i32>} : memref<96x256xf32, #tpu.memory_space<vmem>>, vector<1x16xf32>,
      %get3A_158 = arith.index_cast %scan3A_42 : i32 to index
      %get3A_159 = arith.constant 208 : index
      %get3A_160 = tpu.vector_load %arg7[%get3A_158, %get3A_159] {strides = array<i32>} : memref<96x256xf32, #tpu.memory_space<vmem>>, vector<1x16xf32>,
      %get3A_161 = vector.shape_cast %get3A_160 : vector<1x16xf32> to vector<16xf32>
      %swap3A_162 = arith.index_cast %scan3A_42 : i32 to index
      %swap3A_163 = arith.constant 208 : index
      %swap3A_164 = tpu.vector_load %arg8[%swap3A_162, %swap3A_163] {strides = array<i32>} : memref<96x256xf32, #tpu.memory_space<vmem>>, vector<1x16xf32>,
      %swap3A_165 = vector.shape_cast %swap3A_164 : vector<1x16xf32> to vector<16xf32>
      %swap3A_166 = vector.shape_cast %get3A_161 : vector<16xf32> to vector<1x16xf32>
      tpu.vector_store %arg8[%swap3A_162, %swap3A_163], %swap3A_166 {add = true, strides = array<i32>} : memref<96x256xf32, #tpu.memory_space<vmem>>, vector<1x16xf32>,
      %get3A_167 = arith.index_cast %scan3A_42 : i32 to index
      %get3A_168 = arith.constant 224 : index
      %get3A_169 = tpu.vector_load %arg7[%get3A_167, %get3A_168] {strides = array<i32>} : memref<96x256xf32, #tpu.memory_space<vmem>>, vector<1x16xf32>,
      %get3A_170 = vector.shape_cast %get3A_169 : vector<1x16xf32> to vector<16xf32>
      %swap3A_171 = arith.index_cast %scan3A_42 : i32 to index
      %swap3A_172 = arith.constant 224 : index
      %swap3A_173 = tpu.vector_load %arg8[%swap3A_171, %swap3A_172] {strides = array<i32>} : memref<96x256xf32, #tpu.memory_space<vmem>>, vector<1x16xf32>,
      %swap3A_174 = vector.shape_cast %swap3A_173 : vector<1x16xf32> to vector<16xf32>
      %swap3A_175 = vector.shape_cast %get3A_170 : vector<16xf32> to vector<1x16xf32>
      tpu.vector_store %arg8[%swap3A_171, %swap3A_172], %swap3A_175 {add = true, strides = array<i32>} : memref<96x256xf32, #tpu.memory_space<vmem>>, vector<1x16xf32>,
      %get3A_176 = arith.index_cast %scan3A_42 : i32 to index
      %get3A_177 = arith.constant 240 : index
      %get3A_178 = tpu.vector_load %arg7[%get3A_176, %get3A_177] {strides = array<i32>} : memref<96x256xf32, #tpu.memory_space<vmem>>, vector<1x16xf32>,
      %get3A_179 = vector.shape_cast %get3A_178 : vector<1x16xf32> to vector<16xf32>
      %swap3A_180 = arith.index_cast %scan3A_42 : i32 to index
      %swap3A_181 = arith.constant 240 : index
      %swap3A_182 = tpu.vector_load %arg8[%swap3A_180, %swap3A_181] {strides = array<i32>} : memref<96x256xf32, #tpu.memory_space<vmem>>, vector<1x16xf32>,
      %swap3A_183 = vector.shape_cast %swap3A_182 : vector<1x16xf32> to vector<16xf32>
      %swap3A_184 = vector.shape_cast %get3A_179 : vector<16xf32> to vector<1x16xf32>
      tpu.vector_store %arg8[%swap3A_180, %swap3A_181], %swap3A_184 {add = true, strides = array<i32>} : memref<96x256xf32, #tpu.memory_space<vmem>>, vector<1x16xf32>,
    }
    %scan3A_13 = arith.constant 96 : i32
    "tpu.region"() ({
      %run_scoped3A = tpu.sem_alloc : memref<!tpu.dma_semaphore, #tpu.memory_space<semaphore_mem>>
      %dma_start3A_42 = arith.constant 0 : i32
      %dma_start3A_43 = tpu.memref_slice %arg5[%add3A_4, %dma_start3A_42] : memref<9216x256xf32, #tpu.memory_space<hbm>> -> memref<96x256xf32, #tpu.memory_space<hbm>>
      %dma_start3A_44 = arith.constant 0 : i32
      %dma_start3A_45 = tpu.memref_slice %arg5[%add3A_4, %dma_start3A_44] : memref<9216x256xf32, #tpu.memory_space<hbm>> -> memref<96x256xf32, #tpu.memory_space<hbm>>
      tpu.enqueue_dma source(%arg8 : memref<96x256xf32, #tpu.memory_space<vmem>>) target(%dma_start3A_45 : memref<96x256xf32, #tpu.memory_space<hbm>>) target_semaphore(%run_scoped3A : memref<!tpu.dma_semaphore, #tpu.memory_space<semaphore_mem>>)
      %dma_wait3A_46 = arith.constant 0 : i32
      %dma_wait3A_47 = tpu.memref_slice %arg5[%add3A_4, %dma_wait3A_46] : memref<9216x256xf32, #tpu.memory_space<hbm>> -> memref<96x256xf32, #tpu.memory_space<hbm>>
      %dma_wait3A_48 = arith.constant 0 : i32
      %dma_wait3A_49 = tpu.memref_slice %arg5[%add3A_4, %dma_wait3A_48] : memref<9216x256xf32, #tpu.memory_space<hbm>> -> memref<96x256xf32, #tpu.memory_space<hbm>>
      tpu.wait_dma2 semaphore(%run_scoped3A : memref<!tpu.dma_semaphore, #tpu.memory_space<semaphore_mem>>) src(%arg8 : memref<96x256xf32, #tpu.memory_space<vmem>>) dst(%dma_wait3A_49 : memref<96x256xf32, #tpu.memory_space<hbm>>)
      tpu.yield
    }) : () -> ()
    %add3A_14 = arith.constant 96 : i32
    %add3A_15 = arith.addi %mul3A_2, %add3A_14 : i32
    "tpu.region"() ({
      %run_scoped3A = tpu.sem_alloc : memref<!tpu.dma_semaphore, #tpu.memory_space<semaphore_mem>>
      %dma_start3A_42 = tpu.memref_slice %arg3[%add3A_15] : memref<9216xi32, #tpu.memory_space<hbm>> -> memref<96xi32, #tpu.memory_space<hbm>>
      %dma_start3A_43 = tpu.memref_slice %arg3[%add3A_15] : memref<9216xi32, #tpu.memory_space<hbm>> -> memref<96xi32, #tpu.memory_space<hbm>>
      tpu.enqueue_dma source(%dma_start3A_43 : memref<96xi32, #tpu.memory_space<hbm>>) target(%arg6 : memref<96xi32, #tpu.memory_space<vmem>>) target_semaphore(%run_scoped3A : memref<!tpu.dma_semaphore, #tpu.memory_space<semaphore_mem>>)
      %dma_wait3A_44 = tpu.memref_slice %arg3[%add3A_15] : memref<9216xi32, #tpu.memory_space<hbm>> -> memref<96xi32, #tpu.memory_space<hbm>>
      %dma_wait3A_45 = tpu.memref_slice %arg3[%add3A_15] : memref<9216xi32, #tpu.memory_space<hbm>> -> memref<96xi32, #tpu.memory_space<hbm>>
      tpu.wait_dma2 semaphore(%run_scoped3A : memref<!tpu.dma_semaphore, #tpu.memory_space<semaphore_mem>>) src(%dma_wait3A_45 : memref<96xi32, #tpu.memory_space<hbm>>) dst(%arg6 : memref<96xi32, #tpu.memory_space<vmem>>)
      tpu.yield
    }) : () -> ()
    %dma_start3A_16 = arith.constant 0 : i32
    %dma_start3A_17 = arith.constant 0 : i32
    %dma_start3A_18 = tpu.memref_slice %arg2[%dma_start3A_16, %dma_start3A_17] : memref<1024x256xf32, #tpu.memory_space<hbm>> -> memref<1024x256xf32, #tpu.memory_space<hbm>>
    tpu.enqueue_indirect_dma source(%dma_start3A_18 : memref<1024x256xf32, #tpu.memory_space<hbm>>) target(%arg7 : memref<96x256xf32, #tpu.memory_space<vmem>>) offsets(%arg6 : memref<96xi32, #tpu.memory_space<vmem>>) semaphore(%arg9 : memref<!tpu.dma_semaphore, #tpu.memory_space<semaphore_mem>>)
    "tpu.region"() ({
      %run_scoped3A = tpu.sem_alloc : memref<!tpu.dma_semaphore, #tpu.memory_space<semaphore_mem>>
      %dma_start3A_42 = arith.constant 0 : i32
      %dma_start3A_43 = tpu.memref_slice %arg4[%add3A_15, %dma_start3A_42] : memref<9216x256xf32, #tpu.memory_space<hbm>> -> memref<96x256xf32, #tpu.memory_space<hbm>>
      %dma_start3A_44 = arith.constant 0 : i32
      %dma_start3A_45 = tpu.memref_slice %arg4[%add3A_15, %dma_start3A_44] : memref<9216x256xf32, #tpu.memory_space<hbm>> -> memref<96x256xf32, #tpu.memory_space<hbm>>
      tpu.enqueue_dma source(%dma_start3A_45 : memref<96x256xf32, #tpu.memory_space<hbm>>) target(%arg8 : memref<96x256xf32, #tpu.memory_space<vmem>>) target_semaphore(%run_scoped3A : memref<!tpu.dma_semaphore, #tpu.memory_space<semaphore_mem>>)
      %dma_wait3A_46 = arith.constant 0 : i32
      %dma_wait3A_47 = tpu.memref_slice %arg4[%add3A_15, %dma_wait3A_46] : memref<9216x256xf32, #tpu.memory_space<hbm>> -> memref<96x256xf32, #tpu.memory_space<hbm>>
      %dma_wait3A_48 = arith.constant 0 : i32
      %dma_wait3A_49 = tpu.memref_slice %arg4[%add3A_15, %dma_wait3A_48] : memref<9216x256xf32, #tpu.memory_space<hbm>> -> memref<96x256xf32, #tpu.memory_space<hbm>>
      tpu.wait_dma2 semaphore(%run_scoped3A : memref<!tpu.dma_semaphore, #tpu.memory_space<semaphore_mem>>) src(%dma_wait3A_49 : memref<96x256xf32, #tpu.memory_space<hbm>>) dst(%arg8 : memref<96x256xf32, #tpu.memory_space<vmem>>)
      tpu.yield
    }) : () -> ()
    %dma_wait3A_19 = arith.constant 0 : i32
    %dma_wait3A_20 = arith.constant 0 : i32
    %dma_wait3A_21 = tpu.memref_slice %arg2[%dma_wait3A_19, %dma_wait3A_20] : memref<1024x256xf32, #tpu.memory_space<hbm>> -> memref<1024x256xf32, #tpu.memory_space<hbm>>
    tpu.wait_indirect_dma semaphore(%arg9 : memref<!tpu.dma_semaphore, #tpu.memory_space<semaphore_mem>>) src(%dma_wait3A_21 : memref<1024x256xf32, #tpu.memory_space<hbm>>) dst(%arg7 : memref<96x256xf32, #tpu.memory_space<vmem>>)
    %scan3A_22 = arith.constant 0 : i32
    %scan3A_23 = arith.constant 0 : i32
    %scan3A_24 = arith.constant 96 : i32
    %scan3A_25 = arith.addi %scan3A_23, %scan3A_24 : i32
    %scan3A_26 = arith.constant 1 : i32
    scf.for %scan3A_42 = %scan3A_23 to %scan3A_25 step %scan3A_26  : i32 {
      %get3A = arith.index_cast %scan3A_42 : i32 to index
      %get3A_43 = arith.constant 0 : index
      %get3A_44 = tpu.vector_load %arg7[%get3A, %get3A_43] {strides = array<i32>} : memref<96x256xf32, #tpu.memory_space<vmem>>, vector<1x16xf32>,
      %get3A_45 = vector.shape_cast %get3A_44 : vector<1x16xf32> to vector<16xf32>
      %swap3A = arith.index_cast %scan3A_42 : i32 to index
      %swap3A_46 = arith.constant 0 : index
      %swap3A_47 = tpu.vector_load %arg8[%swap3A, %swap3A_46] {strides = array<i32>} : memref<96x256xf32, #tpu.memory_space<vmem>>, vector<1x16xf32>,
      %swap3A_48 = vector.shape_cast %swap3A_47 : vector<1x16xf32> to vector<16xf32>
      %swap3A_49 = vector.shape_cast %get3A_45 : vector<16xf32> to vector<1x16xf32>
      tpu.vector_store %arg8[%swap3A, %swap3A_46], %swap3A_49 {add = true, strides = array<i32>} : memref<96x256xf32, #tpu.memory_space<vmem>>, vector<1x16xf32>,
      %get3A_50 = arith.index_cast %scan3A_42 : i32 to index
      %get3A_51 = arith.constant 16 : index
      %get3A_52 = tpu.vector_load %arg7[%get3A_50, %get3A_51] {strides = array<i32>} : memref<96x256xf32, #tpu.memory_space<vmem>>, vector<1x16xf32>,
      %get3A_53 = vector.shape_cast %get3A_52 : vector<1x16xf32> to vector<16xf32>
      %swap3A_54 = arith.index_cast %scan3A_42 : i32 to index
      %swap3A_55 = arith.constant 16 : index
      %swap3A_56 = tpu.vector_load %arg8[%swap3A_54, %swap3A_55] {strides = array<i32>} : memref<96x256xf32, #tpu.memory_space<vmem>>, vector<1x16xf32>,
      %swap3A_57 = vector.shape_cast %swap3A_56 : vector<1x16xf32> to vector<16xf32>
      %swap3A_58 = vector.shape_cast %get3A_53 : vector<16xf32> to vector<1x16xf32>
      tpu.vector_store %arg8[%swap3A_54, %swap3A_55], %swap3A_58 {add = true, strides = array<i32>} : memref<96x256xf32, #tpu.memory_space<vmem>>, vector<1x16xf32>,
      %get3A_59 = arith.index_cast %scan3A_42 : i32 to index
      %get3A_60 = arith.constant 32 : index
      %get3A_61 = tpu.vector_load %arg7[%get3A_59, %get3A_60] {strides = array<i32>} : memref<96x256xf32, #tpu.memory_space<vmem>>, vector<1x16xf32>,
      %get3A_62 = vector.shape_cast %get3A_61 : vector<1x16xf32> to vector<16xf32>
      %swap3A_63 = arith.index_cast %scan3A_42 : i32 to index
      %swap3A_64 = arith.constant 32 : index
      %swap3A_65 = tpu.vector_load %arg8[%swap3A_63, %swap3A_64] {strides = array<i32>} : memref<96x256xf32, #tpu.memory_space<vmem>>, vector<1x16xf32>,
      %swap3A_66 = vector.shape_cast %swap3A_65 : vector<1x16xf32> to vector<16xf32>
      %swap3A_67 = vector.shape_cast %get3A_62 : vector<16xf32> to vector<1x16xf32>
      tpu.vector_store %arg8[%swap3A_63, %swap3A_64], %swap3A_67 {add = true, strides = array<i32>} : memref<96x256xf32, #tpu.memory_space<vmem>>, vector<1x16xf32>,
      %get3A_68 = arith.index_cast %scan3A_42 : i32 to index
      %get3A_69 = arith.constant 48 : index
      %get3A_70 = tpu.vector_load %arg7[%get3A_68, %get3A_69] {strides = array<i32>} : memref<96x256xf32, #tpu.memory_space<vmem>>, vector<1x16xf32>,
      %get3A_71 = vector.shape_cast %get3A_70 : vector<1x16xf32> to vector<16xf32>
      %swap3A_72 = arith.index_cast %scan3A_42 : i32 to index
      %swap3A_73 = arith.constant 48 : index
      %swap3A_74 = tpu.vector_load %arg8[%swap3A_72, %swap3A_73] {strides = array<i32>} : memref<96x256xf32, #tpu.memory_space<vmem>>, vector<1x16xf32>,
      %swap3A_75 = vector.shape_cast %swap3A_74 : vector<1x16xf32> to vector<16xf32>
      %swap3A_76 = vector.shape_cast %get3A_71 : vector<16xf32> to vector<1x16xf32>
      tpu.vector_store %arg8[%swap3A_72, %swap3A_73], %swap3A_76 {add = true, strides = array<i32>} : memref<96x256xf32, #tpu.memory_space<vmem>>, vector<1x16xf32>,
      %get3A_77 = arith.index_cast %scan3A_42 : i32 to index
      %get3A_78 = arith.constant 64 : index
      %get3A_79 = tpu.vector_load %arg7[%get3A_77, %get3A_78] {strides = array<i32>} : memref<96x256xf32, #tpu.memory_space<vmem>>, vector<1x16xf32>,
      %get3A_80 = vector.shape_cast %get3A_79 : vector<1x16xf32> to vector<16xf32>
      %swap3A_81 = arith.index_cast %scan3A_42 : i32 to index
      %swap3A_82 = arith.constant 64 : index
      %swap3A_83 = tpu.vector_load %arg8[%swap3A_81, %swap3A_82] {strides = array<i32>} : memref<96x256xf32, #tpu.memory_space<vmem>>, vector<1x16xf32>,
      %swap3A_84 = vector.shape_cast %swap3A_83 : vector<1x16xf32> to vector<16xf32>
      %swap3A_85 = vector.shape_cast %get3A_80 : vector<16xf32> to vector<1x16xf32>
      tpu.vector_store %arg8[%swap3A_81, %swap3A_82], %swap3A_85 {add = true, strides = array<i32>} : memref<96x256xf32, #tpu.memory_space<vmem>>, vector<1x16xf32>,
      %get3A_86 = arith.index_cast %scan3A_42 : i32 to index
      %get3A_87 = arith.constant 80 : index
      %get3A_88 = tpu.vector_load %arg7[%get3A_86, %get3A_87] {strides = array<i32>} : memref<96x256xf32, #tpu.memory_space<vmem>>, vector<1x16xf32>,
      %get3A_89 = vector.shape_cast %get3A_88 : vector<1x16xf32> to vector<16xf32>
      %swap3A_90 = arith.index_cast %scan3A_42 : i32 to index
      %swap3A_91 = arith.constant 80 : index
      %swap3A_92 = tpu.vector_load %arg8[%swap3A_90, %swap3A_91] {strides = array<i32>} : memref<96x256xf32, #tpu.memory_space<vmem>>, vector<1x16xf32>,
      %swap3A_93 = vector.shape_cast %swap3A_92 : vector<1x16xf32> to vector<16xf32>
      %swap3A_94 = vector.shape_cast %get3A_89 : vector<16xf32> to vector<1x16xf32>
      tpu.vector_store %arg8[%swap3A_90, %swap3A_91], %swap3A_94 {add = true, strides = array<i32>} : memref<96x256xf32, #tpu.memory_space<vmem>>, vector<1x16xf32>,
      %get3A_95 = arith.index_cast %scan3A_42 : i32 to index
      %get3A_96 = arith.constant 96 : index
      %get3A_97 = tpu.vector_load %arg7[%get3A_95, %get3A_96] {strides = array<i32>} : memref<96x256xf32, #tpu.memory_space<vmem>>, vector<1x16xf32>,
      %get3A_98 = vector.shape_cast %get3A_97 : vector<1x16xf32> to vector<16xf32>
      %swap3A_99 = arith.index_cast %scan3A_42 : i32 to index
      %swap3A_100 = arith.constant 96 : index
      %swap3A_101 = tpu.vector_load %arg8[%swap3A_99, %swap3A_100] {strides = array<i32>} : memref<96x256xf32, #tpu.memory_space<vmem>>, vector<1x16xf32>,
      %swap3A_102 = vector.shape_cast %swap3A_101 : vector<1x16xf32> to vector<16xf32>
      %swap3A_103 = vector.shape_cast %get3A_98 : vector<16xf32> to vector<1x16xf32>
      tpu.vector_store %arg8[%swap3A_99, %swap3A_100], %swap3A_103 {add = true, strides = array<i32>} : memref<96x256xf32, #tpu.memory_space<vmem>>, vector<1x16xf32>,
      %get3A_104 = arith.index_cast %scan3A_42 : i32 to index
      %get3A_105 = arith.constant 112 : index
      %get3A_106 = tpu.vector_load %arg7[%get3A_104, %get3A_105] {strides = array<i32>} : memref<96x256xf32, #tpu.memory_space<vmem>>, vector<1x16xf32>,
      %get3A_107 = vector.shape_cast %get3A_106 : vector<1x16xf32> to vector<16xf32>
      %swap3A_108 = arith.index_cast %scan3A_42 : i32 to index
      %swap3A_109 = arith.constant 112 : index
      %swap3A_110 = tpu.vector_load %arg8[%swap3A_108, %swap3A_109] {strides = array<i32>} : memref<96x256xf32, #tpu.memory_space<vmem>>, vector<1x16xf32>,
      %swap3A_111 = vector.shape_cast %swap3A_110 : vector<1x16xf32> to vector<16xf32>
      %swap3A_112 = vector.shape_cast %get3A_107 : vector<16xf32> to vector<1x16xf32>
      tpu.vector_store %arg8[%swap3A_108, %swap3A_109], %swap3A_112 {add = true, strides = array<i32>} : memref<96x256xf32, #tpu.memory_space<vmem>>, vector<1x16xf32>,
      %get3A_113 = arith.index_cast %scan3A_42 : i32 to index
      %get3A_114 = arith.constant 128 : index
      %get3A_115 = tpu.vector_load %arg7[%get3A_113, %get3A_114] {strides = array<i32>} : memref<96x256xf32, #tpu.memory_space<vmem>>, vector<1x16xf32>,
      %get3A_116 = vector.shape_cast %get3A_115 : vector<1x16xf32> to vector<16xf32>
      %swap3A_117 = arith.index_cast %scan3A_42 : i32 to index
      %swap3A_118 = arith.constant 128 : index
      %swap3A_119 = tpu.vector_load %arg8[%swap3A_117, %swap3A_118] {strides = array<i32>} : memref<96x256xf32, #tpu.memory_space<vmem>>, vector<1x16xf32>,
      %swap3A_120 = vector.shape_cast %swap3A_119 : vector<1x16xf32> to vector<16xf32>
      %swap3A_121 = vector.shape_cast %get3A_116 : vector<16xf32> to vector<1x16xf32>
      tpu.vector_store %arg8[%swap3A_117, %swap3A_118], %swap3A_121 {add = true, strides = array<i32>} : memref<96x256xf32, #tpu.memory_space<vmem>>, vector<1x16xf32>,
      %get3A_122 = arith.index_cast %scan3A_42 : i32 to index
      %get3A_123 = arith.constant 144 : index
      %get3A_124 = tpu.vector_load %arg7[%get3A_122, %get3A_123] {strides = array<i32>} : memref<96x256xf32, #tpu.memory_space<vmem>>, vector<1x16xf32>,
      %get3A_125 = vector.shape_cast %get3A_124 : vector<1x16xf32> to vector<16xf32>
      %swap3A_126 = arith.index_cast %scan3A_42 : i32 to index
      %swap3A_127 = arith.constant 144 : index
      %swap3A_128 = tpu.vector_load %arg8[%swap3A_126, %swap3A_127] {strides = array<i32>} : memref<96x256xf32, #tpu.memory_space<vmem>>, vector<1x16xf32>,
      %swap3A_129 = vector.shape_cast %swap3A_128 : vector<1x16xf32> to vector<16xf32>
      %swap3A_130 = vector.shape_cast %get3A_125 : vector<16xf32> to vector<1x16xf32>
      tpu.vector_store %arg8[%swap3A_126, %swap3A_127], %swap3A_130 {add = true, strides = array<i32>} : memref<96x256xf32, #tpu.memory_space<vmem>>, vector<1x16xf32>,
      %get3A_131 = arith.index_cast %scan3A_42 : i32 to index
      %get3A_132 = arith.constant 160 : index
      %get3A_133 = tpu.vector_load %arg7[%get3A_131, %get3A_132] {strides = array<i32>} : memref<96x256xf32, #tpu.memory_space<vmem>>, vector<1x16xf32>,
      %get3A_134 = vector.shape_cast %get3A_133 : vector<1x16xf32> to vector<16xf32>
      %swap3A_135 = arith.index_cast %scan3A_42 : i32 to index
      %swap3A_136 = arith.constant 160 : index
      %swap3A_137 = tpu.vector_load %arg8[%swap3A_135, %swap3A_136] {strides = array<i32>} : memref<96x256xf32, #tpu.memory_space<vmem>>, vector<1x16xf32>,
      %swap3A_138 = vector.shape_cast %swap3A_137 : vector<1x16xf32> to vector<16xf32>
      %swap3A_139 = vector.shape_cast %get3A_134 : vector<16xf32> to vector<1x16xf32>
      tpu.vector_store %arg8[%swap3A_135, %swap3A_136], %swap3A_139 {add = true, strides = array<i32>} : memref<96x256xf32, #tpu.memory_space<vmem>>, vector<1x16xf32>,
      %get3A_140 = arith.index_cast %scan3A_42 : i32 to index
      %get3A_141 = arith.constant 176 : index
      %get3A_142 = tpu.vector_load %arg7[%get3A_140, %get3A_141] {strides = array<i32>} : memref<96x256xf32, #tpu.memory_space<vmem>>, vector<1x16xf32>,
      %get3A_143 = vector.shape_cast %get3A_142 : vector<1x16xf32> to vector<16xf32>
      %swap3A_144 = arith.index_cast %scan3A_42 : i32 to index
      %swap3A_145 = arith.constant 176 : index
      %swap3A_146 = tpu.vector_load %arg8[%swap3A_144, %swap3A_145] {strides = array<i32>} : memref<96x256xf32, #tpu.memory_space<vmem>>, vector<1x16xf32>,
      %swap3A_147 = vector.shape_cast %swap3A_146 : vector<1x16xf32> to vector<16xf32>
      %swap3A_148 = vector.shape_cast %get3A_143 : vector<16xf32> to vector<1x16xf32>
      tpu.vector_store %arg8[%swap3A_144, %swap3A_145], %swap3A_148 {add = true, strides = array<i32>} : memref<96x256xf32, #tpu.memory_space<vmem>>, vector<1x16xf32>,
      %get3A_149 = arith.index_cast %scan3A_42 : i32 to index
      %get3A_150 = arith.constant 192 : index
      %get3A_151 = tpu.vector_load %arg7[%get3A_149, %get3A_150] {strides = array<i32>} : memref<96x256xf32, #tpu.memory_space<vmem>>, vector<1x16xf32>,
      %get3A_152 = vector.shape_cast %get3A_151 : vector<1x16xf32> to vector<16xf32>
      %swap3A_153 = arith.index_cast %scan3A_42 : i32 to index
      %swap3A_154 = arith.constant 192 : index
      %swap3A_155 = tpu.vector_load %arg8[%swap3A_153, %swap3A_154] {strides = array<i32>} : memref<96x256xf32, #tpu.memory_space<vmem>>, vector<1x16xf32>,
      %swap3A_156 = vector.shape_cast %swap3A_155 : vector<1x16xf32> to vector<16xf32>
      %swap3A_157 = vector.shape_cast %get3A_152 : vector<16xf32> to vector<1x16xf32>
      tpu.vector_store %arg8[%swap3A_153, %swap3A_154], %swap3A_157 {add = true, strides = array<i32>} : memref<96x256xf32, #tpu.memory_space<vmem>>, vector<1x16xf32>,
      %get3A_158 = arith.index_cast %scan3A_42 : i32 to index
      %get3A_159 = arith.constant 208 : index
      %get3A_160 = tpu.vector_load %arg7[%get3A_158, %get3A_159] {strides = array<i32>} : memref<96x256xf32, #tpu.memory_space<vmem>>, vector<1x16xf32>,
      %get3A_161 = vector.shape_cast %get3A_160 : vector<1x16xf32> to vector<16xf32>
      %swap3A_162 = arith.index_cast %scan3A_42 : i32 to index
      %swap3A_163 = arith.constant 208 : index
      %swap3A_164 = tpu.vector_load %arg8[%swap3A_162, %swap3A_163] {strides = array<i32>} : memref<96x256xf32, #tpu.memory_space<vmem>>, vector<1x16xf32>,
      %swap3A_165 = vector.shape_cast %swap3A_164 : vector<1x16xf32> to vector<16xf32>
      %swap3A_166 = vector.shape_cast %get3A_161 : vector<16xf32> to vector<1x16xf32>
      tpu.vector_store %arg8[%swap3A_162, %swap3A_163], %swap3A_166 {add = true, strides = array<i32>} : memref<96x256xf32, #tpu.memory_space<vmem>>, vector<1x16xf32>,
      %get3A_167 = arith.index_cast %scan3A_42 : i32 to index
      %get3A_168 = arith.constant 224 : index
      %get3A_169 = tpu.vector_load %arg7[%get3A_167, %get3A_168] {strides = array<i32>} : memref<96x256xf32, #tpu.memory_space<vmem>>, vector<1x16xf32>,
      %get3A_170 = vector.shape_cast %get3A_169 : vector<1x16xf32> to vector<16xf32>
      %swap3A_171 = arith.index_cast %scan3A_42 : i32 to index
      %swap3A_172 = arith.constant 224 : index
      %swap3A_173 = tpu.vector_load %arg8[%swap3A_171, %swap3A_172] {strides = array<i32>} : memref<96x256xf32, #tpu.memory_space<vmem>>, vector<1x16xf32>,
      %swap3A_174 = vector.shape_cast %swap3A_173 : vector<1x16xf32> to vector<16xf32>
      %swap3A_175 = vector.shape_cast %get3A_170 : vector<16xf32> to vector<1x16xf32>
      tpu.vector_store %arg8[%swap3A_171, %swap3A_172], %swap3A_175 {add = true, strides = array<i32>} : memref<96x256xf32, #tpu.memory_space<vmem>>, vector<1x16xf32>,
      %get3A_176 = arith.index_cast %scan3A_42 : i32 to index
      %get3A_177 = arith.constant 240 : index
      %get3A_178 = tpu.vector_load %arg7[%get3A_176, %get3A_177] {strides = array<i32>} : memref<96x256xf32, #tpu.memory_space<vmem>>, vector<1x16xf32>,
      %get3A_179 = vector.shape_cast %get3A_178 : vector<1x16xf32> to vector<16xf32>
      %swap3A_180 = arith.index_cast %scan3A_42 : i32 to index
      %swap3A_181 = arith.constant 240 : index
      %swap3A_182 = tpu.vector_load %arg8[%swap3A_180, %swap3A_181] {strides = array<i32>} : memref<96x256xf32, #tpu.memory_space<vmem>>, vector<1x16xf32>,
      %swap3A_183 = vector.shape_cast %swap3A_182 : vector<1x16xf32> to vector<16xf32>
      %swap3A_184 = vector.shape_cast %get3A_179 : vector<16xf32> to vector<1x16xf32>
      tpu.vector_store %arg8[%swap3A_180, %swap3A_181], %swap3A_184 {add = true, strides = array<i32>} : memref<96x256xf32, #tpu.memory_space<vmem>>, vector<1x16xf32>,
    }
    %scan3A_27 = arith.constant 96 : i32
    "tpu.region"() ({
      %run_scoped3A = tpu.sem_alloc : memref<!tpu.dma_semaphore, #tpu.memory_space<semaphore_mem>>
      %dma_start3A_42 = arith.constant 0 : i32
      %dma_start3A_43 = tpu.memref_slice %arg5[%add3A_15, %dma_start3A_42] : memref<9216x256xf32, #tpu.memory_space<hbm>> -> memref<96x256xf32, #tpu.memory_space<hbm>>
      %dma_start3A_44 = arith.constant 0 : i32
      %dma_start3A_45 = tpu.memref_slice %arg5[%add3A_15, %dma_start3A_44] : memref<9216x256xf32, #tpu.memory_space<hbm>> -> memref<96x256xf32, #tpu.memory_space<hbm>>
      tpu.enqueue_dma source(%arg8 : memref<96x256xf32, #tpu.memory_space<vmem>>) target(%dma_start3A_45 : memref<96x256xf32, #tpu.memory_space<hbm>>) target_semaphore(%run_scoped3A : memref<!tpu.dma_semaphore, #tpu.memory_space<semaphore_mem>>)
      %dma_wait3A_46 = arith.constant 0 : i32
      %dma_wait3A_47 = tpu.memref_slice %arg5[%add3A_15, %dma_wait3A_46] : memref<9216x256xf32, #tpu.memory_space<hbm>> -> memref<96x256xf32, #tpu.memory_space<hbm>>
      %dma_wait3A_48 = arith.constant 0 : i32
      %dma_wait3A_49 = tpu.memref_slice %arg5[%add3A_15, %dma_wait3A_48] : memref<9216x256xf32, #tpu.memory_space<hbm>> -> memref<96x256xf32, #tpu.memory_space<hbm>>
      tpu.wait_dma2 semaphore(%run_scoped3A : memref<!tpu.dma_semaphore, #tpu.memory_space<semaphore_mem>>) src(%arg8 : memref<96x256xf32, #tpu.memory_space<vmem>>) dst(%dma_wait3A_49 : memref<96x256xf32, #tpu.memory_space<hbm>>)
      tpu.yield
    }) : () -> ()
    %add3A_28 = arith.constant 192 : i32
    %add3A_29 = arith.addi %mul3A_2, %add3A_28 : i32
    "tpu.region"() ({
      %run_scoped3A = tpu.sem_alloc : memref<!tpu.dma_semaphore, #tpu.memory_space<semaphore_mem>>
      %dma_start3A_42 = tpu.memref_slice %arg3[%add3A_29] : memref<9216xi32, #tpu.memory_space<hbm>> -> memref<96xi32, #tpu.memory_space<hbm>>
      %dma_start3A_43 = tpu.memref_slice %arg3[%add3A_29] : memref<9216xi32, #tpu.memory_space<hbm>> -> memref<96xi32, #tpu.memory_space<hbm>>
      tpu.enqueue_dma source(%dma_start3A_43 : memref<96xi32, #tpu.memory_space<hbm>>) target(%arg6 : memref<96xi32, #tpu.memory_space<vmem>>) target_semaphore(%run_scoped3A : memref<!tpu.dma_semaphore, #tpu.memory_space<semaphore_mem>>)
      %dma_wait3A_44 = tpu.memref_slice %arg3[%add3A_29] : memref<9216xi32, #tpu.memory_space<hbm>> -> memref<96xi32, #tpu.memory_space<hbm>>
      %dma_wait3A_45 = tpu.memref_slice %arg3[%add3A_29] : memref<9216xi32, #tpu.memory_space<hbm>> -> memref<96xi32, #tpu.memory_space<hbm>>
      tpu.wait_dma2 semaphore(%run_scoped3A : memref<!tpu.dma_semaphore, #tpu.memory_space<semaphore_mem>>) src(%dma_wait3A_45 : memref<96xi32, #tpu.memory_space<hbm>>) dst(%arg6 : memref<96xi32, #tpu.memory_space<vmem>>)
      tpu.yield
    }) : () -> ()
    %dma_start3A_30 = arith.constant 0 : i32
    %dma_start3A_31 = arith.constant 0 : i32
    %dma_start3A_32 = tpu.memref_slice %arg2[%dma_start3A_30, %dma_start3A_31] : memref<1024x256xf32, #tpu.memory_space<hbm>> -> memref<1024x256xf32, #tpu.memory_space<hbm>>
    tpu.enqueue_indirect_dma source(%dma_start3A_32 : memref<1024x256xf32, #tpu.memory_space<hbm>>) target(%arg7 : memref<96x256xf32, #tpu.memory_space<vmem>>) offsets(%arg6 : memref<96xi32, #tpu.memory_space<vmem>>) semaphore(%arg9 : memref<!tpu.dma_semaphore, #tpu.memory_space<semaphore_mem>>)
    "tpu.region"() ({
      %run_scoped3A = tpu.sem_alloc : memref<!tpu.dma_semaphore, #tpu.memory_space<semaphore_mem>>
      %dma_start3A_42 = arith.constant 0 : i32
      %dma_start3A_43 = tpu.memref_slice %arg4[%add3A_29, %dma_start3A_42] : memref<9216x256xf32, #tpu.memory_space<hbm>> -> memref<96x256xf32, #tpu.memory_space<hbm>>
      %dma_start3A_44 = arith.constant 0 : i32
      %dma_start3A_45 = tpu.memref_slice %arg4[%add3A_29, %dma_start3A_44] : memref<9216x256xf32, #tpu.memory_space<hbm>> -> memref<96x256xf32, #tpu.memory_space<hbm>>
      tpu.enqueue_dma source(%dma_start3A_45 : memref<96x256xf32, #tpu.memory_space<hbm>>) target(%arg8 : memref<96x256xf32, #tpu.memory_space<vmem>>) target_semaphore(%run_scoped3A : memref<!tpu.dma_semaphore, #tpu.memory_space<semaphore_mem>>)
      %dma_wait3A_46 = arith.constant 0 : i32
      %dma_wait3A_47 = tpu.memref_slice %arg4[%add3A_29, %dma_wait3A_46] : memref<9216x256xf32, #tpu.memory_space<hbm>> -> memref<96x256xf32, #tpu.memory_space<hbm>>
      %dma_wait3A_48 = arith.constant 0 : i32
      %dma_wait3A_49 = tpu.memref_slice %arg4[%add3A_29, %dma_wait3A_48] : memref<9216x256xf32, #tpu.memory_space<hbm>> -> memref<96x256xf32, #tpu.memory_space<hbm>>
      tpu.wait_dma2 semaphore(%run_scoped3A : memref<!tpu.dma_semaphore, #tpu.memory_space<semaphore_mem>>) src(%dma_wait3A_49 : memref<96x256xf32, #tpu.memory_space<hbm>>) dst(%arg8 : memref<96x256xf32, #tpu.memory_space<vmem>>)
      tpu.yield
    }) : () -> ()
    %dma_wait3A_33 = arith.constant 0 : i32
    %dma_wait3A_34 = arith.constant 0 : i32
    %dma_wait3A_35 = tpu.memref_slice %arg2[%dma_wait3A_33, %dma_wait3A_34] : memref<1024x256xf32, #tpu.memory_space<hbm>> -> memref<1024x256xf32, #tpu.memory_space<hbm>>
    tpu.wait_indirect_dma semaphore(%arg9 : memref<!tpu.dma_semaphore, #tpu.memory_space<semaphore_mem>>) src(%dma_wait3A_35 : memref<1024x256xf32, #tpu.memory_space<hbm>>) dst(%arg7 : memref<96x256xf32, #tpu.memory_space<vmem>>)
    %scan3A_36 = arith.constant 0 : i32
    %scan3A_37 = arith.constant 0 : i32
    %scan3A_38 = arith.constant 96 : i32
    %scan3A_39 = arith.addi %scan3A_37, %scan3A_38 : i32
    %scan3A_40 = arith.constant 1 : i32
    scf.for %scan3A_42 = %scan3A_37 to %scan3A_39 step %scan3A_40  : i32 {
      %get3A = arith.index_cast %scan3A_42 : i32 to index
      %get3A_43 = arith.constant 0 : index
      %get3A_44 = tpu.vector_load %arg7[%get3A, %get3A_43] {strides = array<i32>} : memref<96x256xf32, #tpu.memory_space<vmem>>, vector<1x16xf32>,
      %get3A_45 = vector.shape_cast %get3A_44 : vector<1x16xf32> to vector<16xf32>
      %swap3A = arith.index_cast %scan3A_42 : i32 to index
      %swap3A_46 = arith.constant 0 : index
      %swap3A_47 = tpu.vector_load %arg8[%swap3A, %swap3A_46] {strides = array<i32>} : memref<96x256xf32, #tpu.memory_space<vmem>>, vector<1x16xf32>,
      %swap3A_48 = vector.shape_cast %swap3A_47 : vector<1x16xf32> to vector<16xf32>
      %swap3A_49 = vector.shape_cast %get3A_45 : vector<16xf32> to vector<1x16xf32>
      tpu.vector_store %arg8[%swap3A, %swap3A_46], %swap3A_49 {add = true, strides = array<i32>} : memref<96x256xf32, #tpu.memory_space<vmem>>, vector<1x16xf32>,
      %get3A_50 = arith.index_cast %scan3A_42 : i32 to index
      %get3A_51 = arith.constant 16 : index
      %get3A_52 = tpu.vector_load %arg7[%get3A_50, %get3A_51] {strides = array<i32>} : memref<96x256xf32, #tpu.memory_space<vmem>>, vector<1x16xf32>,
      %get3A_53 = vector.shape_cast %get3A_52 : vector<1x16xf32> to vector<16xf32>
      %swap3A_54 = arith.index_cast %scan3A_42 : i32 to index
      %swap3A_55 = arith.constant 16 : index
      %swap3A_56 = tpu.vector_load %arg8[%swap3A_54, %swap3A_55] {strides = array<i32>} : memref<96x256xf32, #tpu.memory_space<vmem>>, vector<1x16xf32>,
      %swap3A_57 = vector.shape_cast %swap3A_56 : vector<1x16xf32> to vector<16xf32>
      %swap3A_58 = vector.shape_cast %get3A_53 : vector<16xf32> to vector<1x16xf32>
      tpu.vector_store %arg8[%swap3A_54, %swap3A_55], %swap3A_58 {add = true, strides = array<i32>} : memref<96x256xf32, #tpu.memory_space<vmem>>, vector<1x16xf32>,
      %get3A_59 = arith.index_cast %scan3A_42 : i32 to index
      %get3A_60 = arith.constant 32 : index
      %get3A_61 = tpu.vector_load %arg7[%get3A_59, %get3A_60] {strides = array<i32>} : memref<96x256xf32, #tpu.memory_space<vmem>>, vector<1x16xf32>,
      %get3A_62 = vector.shape_cast %get3A_61 : vector<1x16xf32> to vector<16xf32>
      %swap3A_63 = arith.index_cast %scan3A_42 : i32 to index
      %swap3A_64 = arith.constant 32 : index
      %swap3A_65 = tpu.vector_load %arg8[%swap3A_63, %swap3A_64] {strides = array<i32>} : memref<96x256xf32, #tpu.memory_space<vmem>>, vector<1x16xf32>,
      %swap3A_66 = vector.shape_cast %swap3A_65 : vector<1x16xf32> to vector<16xf32>
      %swap3A_67 = vector.shape_cast %get3A_62 : vector<16xf32> to vector<1x16xf32>
      tpu.vector_store %arg8[%swap3A_63, %swap3A_64], %swap3A_67 {add = true, strides = array<i32>} : memref<96x256xf32, #tpu.memory_space<vmem>>, vector<1x16xf32>,
      %get3A_68 = arith.index_cast %scan3A_42 : i32 to index
      %get3A_69 = arith.constant 48 : index
      %get3A_70 = tpu.vector_load %arg7[%get3A_68, %get3A_69] {strides = array<i32>} : memref<96x256xf32, #tpu.memory_space<vmem>>, vector<1x16xf32>,
      %get3A_71 = vector.shape_cast %get3A_70 : vector<1x16xf32> to vector<16xf32>
      %swap3A_72 = arith.index_cast %scan3A_42 : i32 to index
      %swap3A_73 = arith.constant 48 : index
      %swap3A_74 = tpu.vector_load %arg8[%swap3A_72, %swap3A_73] {strides = array<i32>} : memref<96x256xf32, #tpu.memory_space<vmem>>, vector<1x16xf32>,
      %swap3A_75 = vector.shape_cast %swap3A_74 : vector<1x16xf32> to vector<16xf32>
      %swap3A_76 = vector.shape_cast %get3A_71 : vector<16xf32> to vector<1x16xf32>
      tpu.vector_store %arg8[%swap3A_72, %swap3A_73], %swap3A_76 {add = true, strides = array<i32>} : memref<96x256xf32, #tpu.memory_space<vmem>>, vector<1x16xf32>,
      %get3A_77 = arith.index_cast %scan3A_42 : i32 to index
      %get3A_78 = arith.constant 64 : index
      %get3A_79 = tpu.vector_load %arg7[%get3A_77, %get3A_78] {strides = array<i32>} : memref<96x256xf32, #tpu.memory_space<vmem>>, vector<1x16xf32>,
      %get3A_80 = vector.shape_cast %get3A_79 : vector<1x16xf32> to vector<16xf32>
      %swap3A_81 = arith.index_cast %scan3A_42 : i32 to index
      %swap3A_82 = arith.constant 64 : index
      %swap3A_83 = tpu.vector_load %arg8[%swap3A_81, %swap3A_82] {strides = array<i32>} : memref<96x256xf32, #tpu.memory_space<vmem>>, vector<1x16xf32>,
      %swap3A_84 = vector.shape_cast %swap3A_83 : vector<1x16xf32> to vector<16xf32>
      %swap3A_85 = vector.shape_cast %get3A_80 : vector<16xf32> to vector<1x16xf32>
      tpu.vector_store %arg8[%swap3A_81, %swap3A_82], %swap3A_85 {add = true, strides = array<i32>} : memref<96x256xf32, #tpu.memory_space<vmem>>, vector<1x16xf32>,
      %get3A_86 = arith.index_cast %scan3A_42 : i32 to index
      %get3A_87 = arith.constant 80 : index
      %get3A_88 = tpu.vector_load %arg7[%get3A_86, %get3A_87] {strides = array<i32>} : memref<96x256xf32, #tpu.memory_space<vmem>>, vector<1x16xf32>,
      %get3A_89 = vector.shape_cast %get3A_88 : vector<1x16xf32> to vector<16xf32>
      %swap3A_90 = arith.index_cast %scan3A_42 : i32 to index
      %swap3A_91 = arith.constant 80 : index
      %swap3A_92 = tpu.vector_load %arg8[%swap3A_90, %swap3A_91] {strides = array<i32>} : memref<96x256xf32, #tpu.memory_space<vmem>>, vector<1x16xf32>,
      %swap3A_93 = vector.shape_cast %swap3A_92 : vector<1x16xf32> to vector<16xf32>
      %swap3A_94 = vector.shape_cast %get3A_89 : vector<16xf32> to vector<1x16xf32>
      tpu.vector_store %arg8[%swap3A_90, %swap3A_91], %swap3A_94 {add = true, strides = array<i32>} : memref<96x256xf32, #tpu.memory_space<vmem>>, vector<1x16xf32>,
      %get3A_95 = arith.index_cast %scan3A_42 : i32 to index
      %get3A_96 = arith.constant 96 : index
      %get3A_97 = tpu.vector_load %arg7[%get3A_95, %get3A_96] {strides = array<i32>} : memref<96x256xf32, #tpu.memory_space<vmem>>, vector<1x16xf32>,
      %get3A_98 = vector.shape_cast %get3A_97 : vector<1x16xf32> to vector<16xf32>
      %swap3A_99 = arith.index_cast %scan3A_42 : i32 to index
      %swap3A_100 = arith.constant 96 : index
      %swap3A_101 = tpu.vector_load %arg8[%swap3A_99, %swap3A_100] {strides = array<i32>} : memref<96x256xf32, #tpu.memory_space<vmem>>, vector<1x16xf32>,
      %swap3A_102 = vector.shape_cast %swap3A_101 : vector<1x16xf32> to vector<16xf32>
      %swap3A_103 = vector.shape_cast %get3A_98 : vector<16xf32> to vector<1x16xf32>
      tpu.vector_store %arg8[%swap3A_99, %swap3A_100], %swap3A_103 {add = true, strides = array<i32>} : memref<96x256xf32, #tpu.memory_space<vmem>>, vector<1x16xf32>,
      %get3A_104 = arith.index_cast %scan3A_42 : i32 to index
      %get3A_105 = arith.constant 112 : index
      %get3A_106 = tpu.vector_load %arg7[%get3A_104, %get3A_105] {strides = array<i32>} : memref<96x256xf32, #tpu.memory_space<vmem>>, vector<1x16xf32>,
      %get3A_107 = vector.shape_cast %get3A_106 : vector<1x16xf32> to vector<16xf32>
      %swap3A_108 = arith.index_cast %scan3A_42 : i32 to index
      %swap3A_109 = arith.constant 112 : index
      %swap3A_110 = tpu.vector_load %arg8[%swap3A_108, %swap3A_109] {strides = array<i32>} : memref<96x256xf32, #tpu.memory_space<vmem>>, vector<1x16xf32>,
      %swap3A_111 = vector.shape_cast %swap3A_110 : vector<1x16xf32> to vector<16xf32>
      %swap3A_112 = vector.shape_cast %get3A_107 : vector<16xf32> to vector<1x16xf32>
      tpu.vector_store %arg8[%swap3A_108, %swap3A_109], %swap3A_112 {add = true, strides = array<i32>} : memref<96x256xf32, #tpu.memory_space<vmem>>, vector<1x16xf32>,
      %get3A_113 = arith.index_cast %scan3A_42 : i32 to index
      %get3A_114 = arith.constant 128 : index
      %get3A_115 = tpu.vector_load %arg7[%get3A_113, %get3A_114] {strides = array<i32>} : memref<96x256xf32, #tpu.memory_space<vmem>>, vector<1x16xf32>,
      %get3A_116 = vector.shape_cast %get3A_115 : vector<1x16xf32> to vector<16xf32>
      %swap3A_117 = arith.index_cast %scan3A_42 : i32 to index
      %swap3A_118 = arith.constant 128 : index
      %swap3A_119 = tpu.vector_load %arg8[%swap3A_117, %swap3A_118] {strides = array<i32>} : memref<96x256xf32, #tpu.memory_space<vmem>>, vector<1x16xf32>,
      %swap3A_120 = vector.shape_cast %swap3A_119 : vector<1x16xf32> to vector<16xf32>
      %swap3A_121 = vector.shape_cast %get3A_116 : vector<16xf32> to vector<1x16xf32>
      tpu.vector_store %arg8[%swap3A_117, %swap3A_118], %swap3A_121 {add = true, strides = array<i32>} : memref<96x256xf32, #tpu.memory_space<vmem>>, vector<1x16xf32>,
      %get3A_122 = arith.index_cast %scan3A_42 : i32 to index
      %get3A_123 = arith.constant 144 : index
      %get3A_124 = tpu.vector_load %arg7[%get3A_122, %get3A_123] {strides = array<i32>} : memref<96x256xf32, #tpu.memory_space<vmem>>, vector<1x16xf32>,
      %get3A_125 = vector.shape_cast %get3A_124 : vector<1x16xf32> to vector<16xf32>
      %swap3A_126 = arith.index_cast %scan3A_42 : i32 to index
      %swap3A_127 = arith.constant 144 : index
      %swap3A_128 = tpu.vector_load %arg8[%swap3A_126, %swap3A_127] {strides = array<i32>} : memref<96x256xf32, #tpu.memory_space<vmem>>, vector<1x16xf32>,
      %swap3A_129 = vector.shape_cast %swap3A_128 : vector<1x16xf32> to vector<16xf32>
      %swap3A_130 = vector.shape_cast %get3A_125 : vector<16xf32> to vector<1x16xf32>
      tpu.vector_store %arg8[%swap3A_126, %swap3A_127], %swap3A_130 {add = true, strides = array<i32>} : memref<96x256xf32, #tpu.memory_space<vmem>>, vector<1x16xf32>,
      %get3A_131 = arith.index_cast %scan3A_42 : i32 to index
      %get3A_132 = arith.constant 160 : index
      %get3A_133 = tpu.vector_load %arg7[%get3A_131, %get3A_132] {strides = array<i32>} : memref<96x256xf32, #tpu.memory_space<vmem>>, vector<1x16xf32>,
      %get3A_134 = vector.shape_cast %get3A_133 : vector<1x16xf32> to vector<16xf32>
      %swap3A_135 = arith.index_cast %scan3A_42 : i32 to index
      %swap3A_136 = arith.constant 160 : index
      %swap3A_137 = tpu.vector_load %arg8[%swap3A_135, %swap3A_136] {strides = array<i32>} : memref<96x256xf32, #tpu.memory_space<vmem>>, vector<1x16xf32>,
      %swap3A_138 = vector.shape_cast %swap3A_137 : vector<1x16xf32> to vector<16xf32>
      %swap3A_139 = vector.shape_cast %get3A_134 : vector<16xf32> to vector<1x16xf32>
      tpu.vector_store %arg8[%swap3A_135, %swap3A_136], %swap3A_139 {add = true, strides = array<i32>} : memref<96x256xf32, #tpu.memory_space<vmem>>, vector<1x16xf32>,
      %get3A_140 = arith.index_cast %scan3A_42 : i32 to index
      %get3A_141 = arith.constant 176 : index
      %get3A_142 = tpu.vector_load %arg7[%get3A_140, %get3A_141] {strides = array<i32>} : memref<96x256xf32, #tpu.memory_space<vmem>>, vector<1x16xf32>,
      %get3A_143 = vector.shape_cast %get3A_142 : vector<1x16xf32> to vector<16xf32>
      %swap3A_144 = arith.index_cast %scan3A_42 : i32 to index
      %swap3A_145 = arith.constant 176 : index
      %swap3A_146 = tpu.vector_load %arg8[%swap3A_144, %swap3A_145] {strides = array<i32>} : memref<96x256xf32, #tpu.memory_space<vmem>>, vector<1x16xf32>,
      %swap3A_147 = vector.shape_cast %swap3A_146 : vector<1x16xf32> to vector<16xf32>
      %swap3A_148 = vector.shape_cast %get3A_143 : vector<16xf32> to vector<1x16xf32>
      tpu.vector_store %arg8[%swap3A_144, %swap3A_145], %swap3A_148 {add = true, strides = array<i32>} : memref<96x256xf32, #tpu.memory_space<vmem>>, vector<1x16xf32>,
      %get3A_149 = arith.index_cast %scan3A_42 : i32 to index
      %get3A_150 = arith.constant 192 : index
      %get3A_151 = tpu.vector_load %arg7[%get3A_149, %get3A_150] {strides = array<i32>} : memref<96x256xf32, #tpu.memory_space<vmem>>, vector<1x16xf32>,
      %get3A_152 = vector.shape_cast %get3A_151 : vector<1x16xf32> to vector<16xf32>
      %swap3A_153 = arith.index_cast %scan3A_42 : i32 to index
      %swap3A_154 = arith.constant 192 : index
      %swap3A_155 = tpu.vector_load %arg8[%swap3A_153, %swap3A_154] {strides = array<i32>} : memref<96x256xf32, #tpu.memory_space<vmem>>, vector<1x16xf32>,
      %swap3A_156 = vector.shape_cast %swap3A_155 : vector<1x16xf32> to vector<16xf32>
      %swap3A_157 = vector.shape_cast %get3A_152 : vector<16xf32> to vector<1x16xf32>
      tpu.vector_store %arg8[%swap3A_153, %swap3A_154], %swap3A_157 {add = true, strides = array<i32>} : memref<96x256xf32, #tpu.memory_space<vmem>>, vector<1x16xf32>,
      %get3A_158 = arith.index_cast %scan3A_42 : i32 to index
      %get3A_159 = arith.constant 208 : index
      %get3A_160 = tpu.vector_load %arg7[%get3A_158, %get3A_159] {strides = array<i32>} : memref<96x256xf32, #tpu.memory_space<vmem>>, vector<1x16xf32>,
      %get3A_161 = vector.shape_cast %get3A_160 : vector<1x16xf32> to vector<16xf32>
      %swap3A_162 = arith.index_cast %scan3A_42 : i32 to index
      %swap3A_163 = arith.constant 208 : index
      %swap3A_164 = tpu.vector_load %arg8[%swap3A_162, %swap3A_163] {strides = array<i32>} : memref<96x256xf32, #tpu.memory_space<vmem>>, vector<1x16xf32>,
      %swap3A_165 = vector.shape_cast %swap3A_164 : vector<1x16xf32> to vector<16xf32>
      %swap3A_166 = vector.shape_cast %get3A_161 : vector<16xf32> to vector<1x16xf32>
      tpu.vector_store %arg8[%swap3A_162, %swap3A_163], %swap3A_166 {add = true, strides = array<i32>} : memref<96x256xf32, #tpu.memory_space<vmem>>, vector<1x16xf32>,
      %get3A_167 = arith.index_cast %scan3A_42 : i32 to index
      %get3A_168 = arith.constant 224 : index
      %get3A_169 = tpu.vector_load %arg7[%get3A_167, %get3A_168] {strides = array<i32>} : memref<96x256xf32, #tpu.memory_space<vmem>>, vector<1x16xf32>,
      %get3A_170 = vector.shape_cast %get3A_169 : vector<1x16xf32> to vector<16xf32>
      %swap3A_171 = arith.index_cast %scan3A_42 : i32 to index
      %swap3A_172 = arith.constant 224 : index
      %swap3A_173 = tpu.vector_load %arg8[%swap3A_171, %swap3A_172] {strides = array<i32>} : memref<96x256xf32, #tpu.memory_space<vmem>>, vector<1x16xf32>,
      %swap3A_174 = vector.shape_cast %swap3A_173 : vector<1x16xf32> to vector<16xf32>
      %swap3A_175 = vector.shape_cast %get3A_170 : vector<16xf32> to vector<1x16xf32>
      tpu.vector_store %arg8[%swap3A_171, %swap3A_172], %swap3A_175 {add = true, strides = array<i32>} : memref<96x256xf32, #tpu.memory_space<vmem>>, vector<1x16xf32>,
      %get3A_176 = arith.index_cast %scan3A_42 : i32 to index
      %get3A_177 = arith.constant 240 : index
      %get3A_178 = tpu.vector_load %arg7[%get3A_176, %get3A_177] {strides = array<i32>} : memref<96x256xf32, #tpu.memory_space<vmem>>, vector<1x16xf32>,
      %get3A_179 = vector.shape_cast %get3A_178 : vector<1x16xf32> to vector<16xf32>
      %swap3A_180 = arith.index_cast %scan3A_42 : i32 to index
      %swap3A_181 = arith.constant 240 : index
      %swap3A_182 = tpu.vector_load %arg8[%swap3A_180, %swap3A_181] {strides = array<i32>} : memref<96x256xf32, #tpu.memory_space<vmem>>, vector<1x16xf32>,
      %swap3A_183 = vector.shape_cast %swap3A_182 : vector<1x16xf32> to vector<16xf32>
      %swap3A_184 = vector.shape_cast %get3A_179 : vector<16xf32> to vector<1x16xf32>
      tpu.vector_store %arg8[%swap3A_180, %swap3A_181], %swap3A_184 {add = true, strides = array<i32>} : memref<96x256xf32, #tpu.memory_space<vmem>>, vector<1x16xf32>,
    }
    %scan3A_41 = arith.constant 96 : i32
    "tpu.region"() ({
      %run_scoped3A = tpu.sem_alloc : memref<!tpu.dma_semaphore, #tpu.memory_space<semaphore_mem>>
      %dma_start3A_42 = arith.constant 0 : i32
      %dma_start3A_43 = tpu.memref_slice %arg5[%add3A_29, %dma_start3A_42] : memref<9216x256xf32, #tpu.memory_space<hbm>> -> memref<96x256xf32, #tpu.memory_space<hbm>>
      %dma_start3A_44 = arith.constant 0 : i32
      %dma_start3A_45 = tpu.memref_slice %arg5[%add3A_29, %dma_start3A_44] : memref<9216x256xf32, #tpu.memory_space<hbm>> -> memref<96x256xf32, #tpu.memory_space<hbm>>
      tpu.enqueue_dma source(%arg8 : memref<96x256xf32, #tpu.memory_space<vmem>>) target(%dma_start3A_45 : memref<96x256xf32, #tpu.memory_space<hbm>>) target_semaphore(%run_scoped3A : memref<!tpu.dma_semaphore, #tpu.memory_space<semaphore_mem>>)
      %dma_wait3A_46 = arith.constant 0 : i32
      %dma_wait3A_47 = tpu.memref_slice %arg5[%add3A_29, %dma_wait3A_46] : memref<9216x256xf32, #tpu.memory_space<hbm>> -> memref<96x256xf32, #tpu.memory_space<hbm>>
      %dma_wait3A_48 = arith.constant 0 : i32
      %dma_wait3A_49 = tpu.memref_slice %arg5[%add3A_29, %dma_wait3A_48] : memref<9216x256xf32, #tpu.memory_space<hbm>> -> memref<96x256xf32, #tpu.memory_space<hbm>>
      tpu.wait_dma2 semaphore(%run_scoped3A : memref<!tpu.dma_semaphore, #tpu.memory_space<semaphore_mem>>) src(%arg8 : memref<96x256xf32, #tpu.memory_space<vmem>>) dst(%dma_wait3A_49 : memref<96x256xf32, #tpu.memory_space<hbm>>)
      tpu.yield
    }) : () -> ()
    return
  }
}

#map = affine_map<(d0, d1) -> (0, 0)>
#map1 = affine_map<(d0, d1) -> (0)>
module attributes {stable_mosaic.version = 14 : i64} {
  func.func @k(%arg0: i32, %arg1: i32, %arg2: memref<1024x256xf32, #tpu.memory_space<hbm>>, %arg3: memref<9216xi32, #tpu.memory_space<hbm>>, %arg4: memref<9216x256xf32, #tpu.memory_space<hbm>>, %arg5: memref<96xi32, #tpu.memory_space<vmem>>, %arg6: memref<96x256xf32, #tpu.memory_space<vmem>>, %arg7: memref<!tpu.dma_semaphore, #tpu.memory_space<semaphore_mem>>) attributes {dimension_semantics = [#tpu.dimension_semantics<core_parallel>, #tpu.dimension_semantics<subcore_parallel>], iteration_bounds = array<i64: 2, 16>, scalar_prefetch = 0 : i64, scratch_operands = 3 : i64, tpu.core_type = #tpu.core_type<sc_vector_subcore>, window_params = [{transform_indices = #map}, {transform_indices = #map1}, {transform_indices = #map}]} {
    %mul3A = arith.constant 2 : i32
    %mul3A_0 = arith.muli %arg1, %mul3A : i32
    %add3A = arith.addi %mul3A_0, %arg0 : i32
    %mul3A_1 = arith.constant 288 : i32
    %mul3A_2 = arith.muli %add3A, %mul3A_1 : i32
    %add3A_3 = arith.constant 0 : i32
    %add3A_4 = arith.addi %mul3A_2, %add3A_3 : i32
    "tpu.region"() ({
      %run_scoped3A = tpu.sem_alloc : memref<!tpu.dma_semaphore, #tpu.memory_space<semaphore_mem>>
      %dma_start3A_25 = tpu.memref_slice %arg3[%add3A_4] : memref<9216xi32, #tpu.memory_space<hbm>> -> memref<96xi32, #tpu.memory_space<hbm>>
      %dma_start3A_26 = tpu.memref_slice %arg3[%add3A_4] : memref<9216xi32, #tpu.memory_space<hbm>> -> memref<96xi32, #tpu.memory_space<hbm>>
      tpu.enqueue_dma source(%dma_start3A_26 : memref<96xi32, #tpu.memory_space<hbm>>) target(%arg5 : memref<96xi32, #tpu.memory_space<vmem>>) target_semaphore(%run_scoped3A : memref<!tpu.dma_semaphore, #tpu.memory_space<semaphore_mem>>)
      %dma_wait3A_27 = tpu.memref_slice %arg3[%add3A_4] : memref<9216xi32, #tpu.memory_space<hbm>> -> memref<96xi32, #tpu.memory_space<hbm>>
      %dma_wait3A_28 = tpu.memref_slice %arg3[%add3A_4] : memref<9216xi32, #tpu.memory_space<hbm>> -> memref<96xi32, #tpu.memory_space<hbm>>
      tpu.wait_dma2 semaphore(%run_scoped3A : memref<!tpu.dma_semaphore, #tpu.memory_space<semaphore_mem>>) src(%dma_wait3A_28 : memref<96xi32, #tpu.memory_space<hbm>>) dst(%arg5 : memref<96xi32, #tpu.memory_space<vmem>>)
      tpu.yield
    }) : () -> ()
    %dma_start3A = arith.constant 0 : i32
    %dma_start3A_5 = arith.constant 0 : i32
    %dma_start3A_6 = tpu.memref_slice %arg2[%dma_start3A, %dma_start3A_5] : memref<1024x256xf32, #tpu.memory_space<hbm>> -> memref<1024x256xf32, #tpu.memory_space<hbm>>
    tpu.enqueue_indirect_dma source(%dma_start3A_6 : memref<1024x256xf32, #tpu.memory_space<hbm>>) target(%arg6 : memref<96x256xf32, #tpu.memory_space<vmem>>) offsets(%arg5 : memref<96xi32, #tpu.memory_space<vmem>>) semaphore(%arg7 : memref<!tpu.dma_semaphore, #tpu.memory_space<semaphore_mem>>)
    %dma_wait3A = arith.constant 0 : i32
    %dma_wait3A_7 = arith.constant 0 : i32
    %dma_wait3A_8 = tpu.memref_slice %arg2[%dma_wait3A, %dma_wait3A_7] : memref<1024x256xf32, #tpu.memory_space<hbm>> -> memref<1024x256xf32, #tpu.memory_space<hbm>>
    tpu.wait_indirect_dma semaphore(%arg7 : memref<!tpu.dma_semaphore, #tpu.memory_space<semaphore_mem>>) src(%dma_wait3A_8 : memref<1024x256xf32, #tpu.memory_space<hbm>>) dst(%arg6 : memref<96x256xf32, #tpu.memory_space<vmem>>)
    "tpu.region"() ({
      %run_scoped3A = tpu.sem_alloc : memref<!tpu.dma_semaphore, #tpu.memory_space<semaphore_mem>>
      %dma_start3A_25 = arith.constant 0 : i32
      %dma_start3A_26 = tpu.memref_slice %arg4[%add3A_4, %dma_start3A_25] : memref<9216x256xf32, #tpu.memory_space<hbm>> -> memref<96x256xf32, #tpu.memory_space<hbm>>
      %dma_start3A_27 = arith.constant 0 : i32
      %dma_start3A_28 = tpu.memref_slice %arg4[%add3A_4, %dma_start3A_27] : memref<9216x256xf32, #tpu.memory_space<hbm>> -> memref<96x256xf32, #tpu.memory_space<hbm>>
      tpu.enqueue_dma source(%arg6 : memref<96x256xf32, #tpu.memory_space<vmem>>) target(%dma_start3A_28 : memref<96x256xf32, #tpu.memory_space<hbm>>) target_semaphore(%run_scoped3A : memref<!tpu.dma_semaphore, #tpu.memory_space<semaphore_mem>>)
      %dma_wait3A_29 = arith.constant 0 : i32
      %dma_wait3A_30 = tpu.memref_slice %arg4[%add3A_4, %dma_wait3A_29] : memref<9216x256xf32, #tpu.memory_space<hbm>> -> memref<96x256xf32, #tpu.memory_space<hbm>>
      %dma_wait3A_31 = arith.constant 0 : i32
      %dma_wait3A_32 = tpu.memref_slice %arg4[%add3A_4, %dma_wait3A_31] : memref<9216x256xf32, #tpu.memory_space<hbm>> -> memref<96x256xf32, #tpu.memory_space<hbm>>
      tpu.wait_dma2 semaphore(%run_scoped3A : memref<!tpu.dma_semaphore, #tpu.memory_space<semaphore_mem>>) src(%arg6 : memref<96x256xf32, #tpu.memory_space<vmem>>) dst(%dma_wait3A_32 : memref<96x256xf32, #tpu.memory_space<hbm>>)
      tpu.yield
    }) : () -> ()
    %add3A_9 = arith.constant 96 : i32
    %add3A_10 = arith.addi %mul3A_2, %add3A_9 : i32
    "tpu.region"() ({
      %run_scoped3A = tpu.sem_alloc : memref<!tpu.dma_semaphore, #tpu.memory_space<semaphore_mem>>
      %dma_start3A_25 = tpu.memref_slice %arg3[%add3A_10] : memref<9216xi32, #tpu.memory_space<hbm>> -> memref<96xi32, #tpu.memory_space<hbm>>
      %dma_start3A_26 = tpu.memref_slice %arg3[%add3A_10] : memref<9216xi32, #tpu.memory_space<hbm>> -> memref<96xi32, #tpu.memory_space<hbm>>
      tpu.enqueue_dma source(%dma_start3A_26 : memref<96xi32, #tpu.memory_space<hbm>>) target(%arg5 : memref<96xi32, #tpu.memory_space<vmem>>) target_semaphore(%run_scoped3A : memref<!tpu.dma_semaphore, #tpu.memory_space<semaphore_mem>>)
      %dma_wait3A_27 = tpu.memref_slice %arg3[%add3A_10] : memref<9216xi32, #tpu.memory_space<hbm>> -> memref<96xi32, #tpu.memory_space<hbm>>
      %dma_wait3A_28 = tpu.memref_slice %arg3[%add3A_10] : memref<9216xi32, #tpu.memory_space<hbm>> -> memref<96xi32, #tpu.memory_space<hbm>>
      tpu.wait_dma2 semaphore(%run_scoped3A : memref<!tpu.dma_semaphore, #tpu.memory_space<semaphore_mem>>) src(%dma_wait3A_28 : memref<96xi32, #tpu.memory_space<hbm>>) dst(%arg5 : memref<96xi32, #tpu.memory_space<vmem>>)
      tpu.yield
    }) : () -> ()
    %dma_start3A_11 = arith.constant 0 : i32
    %dma_start3A_12 = arith.constant 0 : i32
    %dma_start3A_13 = tpu.memref_slice %arg2[%dma_start3A_11, %dma_start3A_12] : memref<1024x256xf32, #tpu.memory_space<hbm>> -> memref<1024x256xf32, #tpu.memory_space<hbm>>
    tpu.enqueue_indirect_dma source(%dma_start3A_13 : memref<1024x256xf32, #tpu.memory_space<hbm>>) target(%arg6 : memref<96x256xf32, #tpu.memory_space<vmem>>) offsets(%arg5 : memref<96xi32, #tpu.memory_space<vmem>>) semaphore(%arg7 : memref<!tpu.dma_semaphore, #tpu.memory_space<semaphore_mem>>)
    %dma_wait3A_14 = arith.constant 0 : i32
    %dma_wait3A_15 = arith.constant 0 : i32
    %dma_wait3A_16 = tpu.memref_slice %arg2[%dma_wait3A_14, %dma_wait3A_15] : memref<1024x256xf32, #tpu.memory_space<hbm>> -> memref<1024x256xf32, #tpu.memory_space<hbm>>
    tpu.wait_indirect_dma semaphore(%arg7 : memref<!tpu.dma_semaphore, #tpu.memory_space<semaphore_mem>>) src(%dma_wait3A_16 : memref<1024x256xf32, #tpu.memory_space<hbm>>) dst(%arg6 : memref<96x256xf32, #tpu.memory_space<vmem>>)
    "tpu.region"() ({
      %run_scoped3A = tpu.sem_alloc : memref<!tpu.dma_semaphore, #tpu.memory_space<semaphore_mem>>
      %dma_start3A_25 = arith.constant 0 : i32
      %dma_start3A_26 = tpu.memref_slice %arg4[%add3A_10, %dma_start3A_25] : memref<9216x256xf32, #tpu.memory_space<hbm>> -> memref<96x256xf32, #tpu.memory_space<hbm>>
      %dma_start3A_27 = arith.constant 0 : i32
      %dma_start3A_28 = tpu.memref_slice %arg4[%add3A_10, %dma_start3A_27] : memref<9216x256xf32, #tpu.memory_space<hbm>> -> memref<96x256xf32, #tpu.memory_space<hbm>>
      tpu.enqueue_dma source(%arg6 : memref<96x256xf32, #tpu.memory_space<vmem>>) target(%dma_start3A_28 : memref<96x256xf32, #tpu.memory_space<hbm>>) target_semaphore(%run_scoped3A : memref<!tpu.dma_semaphore, #tpu.memory_space<semaphore_mem>>)
      %dma_wait3A_29 = arith.constant 0 : i32
      %dma_wait3A_30 = tpu.memref_slice %arg4[%add3A_10, %dma_wait3A_29] : memref<9216x256xf32, #tpu.memory_space<hbm>> -> memref<96x256xf32, #tpu.memory_space<hbm>>
      %dma_wait3A_31 = arith.constant 0 : i32
      %dma_wait3A_32 = tpu.memref_slice %arg4[%add3A_10, %dma_wait3A_31] : memref<9216x256xf32, #tpu.memory_space<hbm>> -> memref<96x256xf32, #tpu.memory_space<hbm>>
      tpu.wait_dma2 semaphore(%run_scoped3A : memref<!tpu.dma_semaphore, #tpu.memory_space<semaphore_mem>>) src(%arg6 : memref<96x256xf32, #tpu.memory_space<vmem>>) dst(%dma_wait3A_32 : memref<96x256xf32, #tpu.memory_space<hbm>>)
      tpu.yield
    }) : () -> ()
    %add3A_17 = arith.constant 192 : i32
    %add3A_18 = arith.addi %mul3A_2, %add3A_17 : i32
    "tpu.region"() ({
      %run_scoped3A = tpu.sem_alloc : memref<!tpu.dma_semaphore, #tpu.memory_space<semaphore_mem>>
      %dma_start3A_25 = tpu.memref_slice %arg3[%add3A_18] : memref<9216xi32, #tpu.memory_space<hbm>> -> memref<96xi32, #tpu.memory_space<hbm>>
      %dma_start3A_26 = tpu.memref_slice %arg3[%add3A_18] : memref<9216xi32, #tpu.memory_space<hbm>> -> memref<96xi32, #tpu.memory_space<hbm>>
      tpu.enqueue_dma source(%dma_start3A_26 : memref<96xi32, #tpu.memory_space<hbm>>) target(%arg5 : memref<96xi32, #tpu.memory_space<vmem>>) target_semaphore(%run_scoped3A : memref<!tpu.dma_semaphore, #tpu.memory_space<semaphore_mem>>)
      %dma_wait3A_27 = tpu.memref_slice %arg3[%add3A_18] : memref<9216xi32, #tpu.memory_space<hbm>> -> memref<96xi32, #tpu.memory_space<hbm>>
      %dma_wait3A_28 = tpu.memref_slice %arg3[%add3A_18] : memref<9216xi32, #tpu.memory_space<hbm>> -> memref<96xi32, #tpu.memory_space<hbm>>
      tpu.wait_dma2 semaphore(%run_scoped3A : memref<!tpu.dma_semaphore, #tpu.memory_space<semaphore_mem>>) src(%dma_wait3A_28 : memref<96xi32, #tpu.memory_space<hbm>>) dst(%arg5 : memref<96xi32, #tpu.memory_space<vmem>>)
      tpu.yield
    }) : () -> ()
    %dma_start3A_19 = arith.constant 0 : i32
    %dma_start3A_20 = arith.constant 0 : i32
    %dma_start3A_21 = tpu.memref_slice %arg2[%dma_start3A_19, %dma_start3A_20] : memref<1024x256xf32, #tpu.memory_space<hbm>> -> memref<1024x256xf32, #tpu.memory_space<hbm>>
    tpu.enqueue_indirect_dma source(%dma_start3A_21 : memref<1024x256xf32, #tpu.memory_space<hbm>>) target(%arg6 : memref<96x256xf32, #tpu.memory_space<vmem>>) offsets(%arg5 : memref<96xi32, #tpu.memory_space<vmem>>) semaphore(%arg7 : memref<!tpu.dma_semaphore, #tpu.memory_space<semaphore_mem>>)
    %dma_wait3A_22 = arith.constant 0 : i32
    %dma_wait3A_23 = arith.constant 0 : i32
    %dma_wait3A_24 = tpu.memref_slice %arg2[%dma_wait3A_22, %dma_wait3A_23] : memref<1024x256xf32, #tpu.memory_space<hbm>> -> memref<1024x256xf32, #tpu.memory_space<hbm>>
    tpu.wait_indirect_dma semaphore(%arg7 : memref<!tpu.dma_semaphore, #tpu.memory_space<semaphore_mem>>) src(%dma_wait3A_24 : memref<1024x256xf32, #tpu.memory_space<hbm>>) dst(%arg6 : memref<96x256xf32, #tpu.memory_space<vmem>>)
    "tpu.region"() ({
      %run_scoped3A = tpu.sem_alloc : memref<!tpu.dma_semaphore, #tpu.memory_space<semaphore_mem>>
      %dma_start3A_25 = arith.constant 0 : i32
      %dma_start3A_26 = tpu.memref_slice %arg4[%add3A_18, %dma_start3A_25] : memref<9216x256xf32, #tpu.memory_space<hbm>> -> memref<96x256xf32, #tpu.memory_space<hbm>>
      %dma_start3A_27 = arith.constant 0 : i32
      %dma_start3A_28 = tpu.memref_slice %arg4[%add3A_18, %dma_start3A_27] : memref<9216x256xf32, #tpu.memory_space<hbm>> -> memref<96x256xf32, #tpu.memory_space<hbm>>
      tpu.enqueue_dma source(%arg6 : memref<96x256xf32, #tpu.memory_space<vmem>>) target(%dma_start3A_28 : memref<96x256xf32, #tpu.memory_space<hbm>>) target_semaphore(%run_scoped3A : memref<!tpu.dma_semaphore, #tpu.memory_space<semaphore_mem>>)
      %dma_wait3A_29 = arith.constant 0 : i32
      %dma_wait3A_30 = tpu.memref_slice %arg4[%add3A_18, %dma_wait3A_29] : memref<9216x256xf32, #tpu.memory_space<hbm>> -> memref<96x256xf32, #tpu.memory_space<hbm>>
      %dma_wait3A_31 = arith.constant 0 : i32
      %dma_wait3A_32 = tpu.memref_slice %arg4[%add3A_18, %dma_wait3A_31] : memref<9216x256xf32, #tpu.memory_space<hbm>> -> memref<96x256xf32, #tpu.memory_space<hbm>>
      tpu.wait_dma2 semaphore(%run_scoped3A : memref<!tpu.dma_semaphore, #tpu.memory_space<semaphore_mem>>) src(%arg6 : memref<96x256xf32, #tpu.memory_space<vmem>>) dst(%dma_wait3A_32 : memref<96x256xf32, #tpu.memory_space<hbm>>)
      tpu.yield
    }) : () -> ()
    return
  }
}

module attributes {stable_mosaic.version = 14 : i64} {
  func.func @_stage1_body(%arg0: i32, %arg1: memref<1x1024xf32, #tpu.memory_space<vmem>>, %arg2: memref<2304x256xf32, #tpu.memory_space<vmem>>, %arg3: memref<2304x256xf32, #tpu.memory_space<vmem>>, %arg4: memref<1024x256xf32, #tpu.memory_space<vmem>>, %arg5: memref<1x1xf32, #tpu.memory_space<smem>>, %arg6: memref<1x1x2304xi32, #tpu.memory_space<vmem>>, %arg7: memref<1x1xf32, #tpu.memory_space<smem>>) attributes {dimension_semantics = [#tpu.dimension_semantics<arbitrary>], iteration_bounds = array<i64: 4>, scalar_prefetch = 0 : i64, scratch_operands = 0 : i64, tpu.core_type = #tpu.core_type<tc>, window_params = [{pipeline_mode = #tpu.pipeline_mode<synchronous>, transform_indices = @transform_0, window_bounds = array<i64: 1, 1024>}, {transform_indices = @transform_1, window_bounds = array<i64: 2304, 256>}, {transform_indices = @transform_2, window_bounds = array<i64: 2304, 256>}, {pipeline_mode = #tpu.pipeline_mode<synchronous>, transform_indices = @transform_3, window_bounds = array<i64: 1024, 256>}, {transform_indices = @transform_4, window_bounds = array<i64: 1, 1>}, {transform_indices = @transform_5, window_bounds = array<i64: 1, 1, 2304>}, {transform_indices = @transform_6, window_bounds = array<i64: 1, 1>}]} {
    %get3A = arith.constant 0 : index
    %get3A_0 = arith.constant 0 : index
    %get3A_1 = vector.load %arg2[%get3A, %get3A_0] : memref<2304x256xf32, #tpu.memory_space<vmem>>, vector<2304x256xf32>
    %get3A_2 = arith.constant 0 : index
    %get3A_3 = arith.constant 0 : index
    %get3A_4 = vector.load %arg3[%get3A_2, %get3A_3] : memref<2304x256xf32, #tpu.memory_space<vmem>>, vector<2304x256xf32>
    %sub3A = arith.subf %get3A_1, %get3A_4 : vector<2304x256xf32>
    %mul3A = arith.mulf %sub3A, %sub3A : vector<2304x256xf32>
    %reduce_sum3A = arith.constant dense<0.000000e+00> : vector<2304xf32>
    %reduce_sum3A_5 = vector.multi_reduction <add>, %mul3A, %reduce_sum3A [1] : vector<2304x256xf32> to vector<2304xf32>
    %broadcast_in_dim3A = vector.shape_cast %reduce_sum3A_5 : vector<2304xf32> to vector<2304x1xf32>
    %mul3A_6 = arith.constant -2.000000e+00 : f32
    %mul3A_7 = vector.broadcast %mul3A_6 : f32 to vector<2304x256xf32>
    %mul3A_8 = arith.mulf %sub3A, %mul3A_7 : vector<2304x256xf32>
    %get3A_9 = arith.constant 0 : index
    %get3A_10 = arith.constant 0 : index
    %get3A_11 = vector.load %arg4[%get3A_9, %get3A_10] : memref<1024x256xf32, #tpu.memory_space<vmem>>, vector<1024x256xf32>
    %dot_general3A = arith.constant dense<0.000000e+00> : vector<2304x1024xf32>
    %dot_general3A_12 = tpu.matmul %mul3A_8, %get3A_11, %dot_general3A {dimension_numbers = #tpu.dot_dimension_numbers<[1], [1], [0], [0], [0, 0, 1, 0], [], []>, transpose_lhs_hint = false} : vector<2304x256xf32>, vector<1024x256xf32>, vector<2304x1024xf32> -> vector<2304x1024xf32>
    %get3A_13 = arith.constant 0 : index
    %get3A_14 = arith.constant 0 : index
    %get3A_15 = vector.load %arg1[%get3A_13, %get3A_14] : memref<1x1024xf32, #tpu.memory_space<vmem>>, vector<1x1024xf32>
    %add3A = vector.broadcast %broadcast_in_dim3A : vector<2304x1xf32> to vector<2304x1024xf32>
    %add3A_16 = vector.broadcast %get3A_15 : vector<1x1024xf32> to vector<2304x1024xf32>
    %add3A_17 = arith.addf %add3A, %add3A_16 : vector<2304x1024xf32>
    %add3A_18 = arith.addf %add3A_17, %dot_general3A_12 : vector<2304x1024xf32>
    %reduce_min3A = arith.constant dense<0x7F800000> : vector<2304xf32>
    %reduce_min3A_19 = vector.multi_reduction <minimumf>, %add3A_18, %reduce_min3A [1] : vector<2304x1024xf32> to vector<2304xf32>
    %broadcast_in_dim3A_20 = vector.shape_cast %reduce_min3A_19 : vector<2304xf32> to vector<2304x1xf32>
    %iota3A = tpu.iota {dimensions = array<i32: 1>} : vector<2304x1024xi32>
    %convert_element_type3A = arith.sitofp %iota3A : vector<2304x1024xi32> to vector<2304x1024xf32>
    %eq3A = vector.broadcast %broadcast_in_dim3A_20 : vector<2304x1xf32> to vector<2304x1024xf32>
    %eq3A_21 = arith.cmpf oeq, %add3A_18, %eq3A : vector<2304x1024xf32>
    %jit3A = arith.constant 1.024000e+03 : f32
    %broadcast_in_dim3A_22 = vector.broadcast %jit3A : f32 to vector<2304x1024xf32>
    %select_n3A = arith.select %eq3A_21, %convert_element_type3A, %broadcast_in_dim3A_22 : vector<2304x1024xi1>, vector<2304x1024xf32>
    %reduce_min3A_23 = arith.constant dense<0x7F800000> : vector<2304xf32>
    %reduce_min3A_24 = vector.multi_reduction <minimumf>, %select_n3A, %reduce_min3A_23 [1] : vector<2304x1024xf32> to vector<2304xf32>
    %convert_element_type3A_25 = arith.fptosi %reduce_min3A_24 : vector<2304xf32> to vector<2304xi32>
    %swap3A = arith.constant 0 : index
    %swap3A_26 = arith.constant 0 : index
    %swap3A_27 = arith.constant 0 : index
    %swap3A_28 = vector.load %arg6[%swap3A, %swap3A_26, %swap3A_27] : memref<1x1x2304xi32, #tpu.memory_space<vmem>>, vector<1x1x2304xi32>
    %swap3A_29 = vector.shape_cast %swap3A_28 : vector<1x1x2304xi32> to vector<2304xi32>
    %swap3A_30 = vector.shape_cast %convert_element_type3A_25 : vector<2304xi32> to vector<1x1x2304xi32>
    tpu.vector_store %arg6[%swap3A, %swap3A_26, %swap3A_27], %swap3A_30 {strides = array<i32>} : memref<1x1x2304xi32, #tpu.memory_space<vmem>>, vector<1x1x2304xi32>,
    %reduce_sum3A_31 = vector.shape_cast %broadcast_in_dim3A_20 : vector<2304x1xf32> to vector<1x2304x1xf32>
    %reduce_sum3A_32 = arith.constant dense<0.000000e+00> : vector<1xf32>
    %reduce_sum3A_33 = vector.multi_reduction <add>, %reduce_sum3A_31, %reduce_sum3A_32 [1, 2] : vector<1x2304x1xf32> to vector<1xf32>
    %reduce_sum3A_34 = vector.shape_cast %reduce_sum3A_33 : vector<1xf32> to vector<1x1x1xf32>
    %reduce_sum3A_35 = vector.extract %reduce_sum3A_34[0, 0, 0] : f32 from vector<1x1x1xf32>
    %eq3A_36 = arith.constant 0 : i32
    %eq3A_37 = arith.cmpi eq, %arg0, %eq3A_36 : i32
    %convert_element_type3A_38 = arith.extui %eq3A_37 : i1 to i32
    %cond3A = arith.constant 0 : i32
    %cond3A_39 = arith.cmpi ne, %convert_element_type3A_38, %cond3A : i32
    scf.if %cond3A_39 {
      %swap3A_49 = arith.constant 0 : index
      %swap3A_50 = arith.constant 0 : index
      %swap3A_51 = memref.load %arg7[%swap3A_49, %swap3A_50] : memref<1x1xf32, #tpu.memory_space<smem>>
      memref.store %reduce_sum3A_35, %arg7[%swap3A_49, %swap3A_50] : memref<1x1xf32, #tpu.memory_space<smem>>
    } else {
    }
    %ne3A = arith.constant 0 : i32
    %ne3A_40 = arith.cmpi ne, %arg0, %ne3A : i32
    %convert_element_type3A_41 = arith.extui %ne3A_40 : i1 to i32
    %cond3A_42 = arith.constant 0 : i32
    %cond3A_43 = arith.cmpi ne, %convert_element_type3A_41, %cond3A_42 : i32
    scf.if %cond3A_43 {
      %get3A_49 = arith.constant 0 : index
      %get3A_50 = arith.constant 0 : index
      %get3A_51 = memref.load %arg7[%get3A_49, %get3A_50] : memref<1x1xf32, #tpu.memory_space<smem>>
      %add3A_52 = arith.addf %get3A_51, %reduce_sum3A_35 : f32
      %swap3A_53 = arith.constant 0 : index
      %swap3A_54 = arith.constant 0 : index
      %swap3A_55 = memref.load %arg7[%swap3A_53, %swap3A_54] : memref<1x1xf32, #tpu.memory_space<smem>>
      memref.store %add3A_52, %arg7[%swap3A_53, %swap3A_54] : memref<1x1xf32, #tpu.memory_space<smem>>
    } else {
    }
    %eq3A_44 = arith.constant 3 : i32
    %eq3A_45 = arith.cmpi eq, %arg0, %eq3A_44 : i32
    %convert_element_type3A_46 = arith.extui %eq3A_45 : i1 to i32
    %cond3A_47 = arith.constant 0 : i32
    %cond3A_48 = arith.cmpi ne, %convert_element_type3A_46, %cond3A_47 : i32
    scf.if %cond3A_48 {
      %get3A_49 = arith.constant 0 : index
      %get3A_50 = arith.constant 0 : index
      %get3A_51 = memref.load %arg7[%get3A_49, %get3A_50] : memref<1x1xf32, #tpu.memory_space<smem>>
      %get3A_52 = arith.constant 0 : index
      %get3A_53 = arith.constant 0 : index
      %get3A_54 = memref.load %arg5[%get3A_52, %get3A_53] : memref<1x1xf32, #tpu.memory_space<smem>>
      %add3A_55 = arith.addf %get3A_51, %get3A_54 : f32
      %mul3A_56 = arith.constant 1.250000e+00 : f32
      %mul3A_57 = arith.mulf %mul3A_56, %add3A_55 : f32
      %mul3A_58 = arith.constant 4.23855255E-7 : f32
      %mul3A_59 = arith.mulf %mul3A_57, %mul3A_58 : f32
      %swap3A_60 = arith.constant 0 : index
      %swap3A_61 = arith.constant 0 : index
      %swap3A_62 = memref.load %arg7[%swap3A_60, %swap3A_61] : memref<1x1xf32, #tpu.memory_space<smem>>
      memref.store %mul3A_59, %arg7[%swap3A_60, %swap3A_61] : memref<1x1xf32, #tpu.memory_space<smem>>
    } else {
    }
    return
  }
  func.func @transform_0(%arg0: i32) -> (i32, i32) {
    %c0_i32 = arith.constant 0 : i32
    %c0_i32_0 = arith.constant 0 : i32
    %c0_i32_1 = arith.constant 0 : i32
    return %c0_i32, %c0_i32_0 : i32, i32
  }
  func.func @transform_1(%arg0: i32) -> (i32, i32) {
    %c0_i32 = arith.constant 0 : i32
    %c0_i32_0 = arith.constant 0 : i32
    return %arg0, %c0_i32 : i32, i32
  }
  func.func @transform_2(%arg0: i32) -> (i32, i32) {
    %c0_i32 = arith.constant 0 : i32
    %c0_i32_0 = arith.constant 0 : i32
    return %arg0, %c0_i32 : i32, i32
  }
  func.func @transform_3(%arg0: i32) -> (i32, i32) {
    %c0_i32 = arith.constant 0 : i32
    %c0_i32_0 = arith.constant 0 : i32
    %c0_i32_1 = arith.constant 0 : i32
    return %c0_i32, %c0_i32_0 : i32, i32
  }
  func.func @transform_4(%arg0: i32) -> (i32, i32) {
    %c0_i32 = arith.constant 0 : i32
    %c0_i32_0 = arith.constant 0 : i32
    %c0_i32_1 = arith.constant 0 : i32
    return %c0_i32, %c0_i32_0 : i32, i32
  }
  func.func @transform_5(%arg0: i32) -> (i32, i32, i32) {
    %c0_i32 = arith.constant 0 : i32
    %c0_i32_0 = arith.constant 0 : i32
    %c0_i32_1 = arith.constant 0 : i32
    return %arg0, %c0_i32, %c0_i32_0 : i32, i32, i32
  }
  func.func @transform_6(%arg0: i32) -> (i32, i32) {
    %c0_i32 = arith.constant 0 : i32
    %c0_i32_0 = arith.constant 0 : i32
    %c0_i32_1 = arith.constant 0 : i32
    return %c0_i32, %c0_i32_0 : i32, i32
  }
}

module attributes {stable_mosaic.version = 14 : i64} {
  func.func @_stage0_body(%arg0: i32, %arg1: memref<1x1024xf32, #tpu.memory_space<vmem>>, %arg2: memref<2304x256xf32, #tpu.memory_space<vmem>>, %arg3: memref<1024x256xf32, #tpu.memory_space<vmem>>, %arg4: memref<1x1x2304xi32, #tpu.memory_space<vmem>>, %arg5: memref<1x1xf32, #tpu.memory_space<smem>>) attributes {dimension_semantics = [#tpu.dimension_semantics<arbitrary>], iteration_bounds = array<i64: 4>, scalar_prefetch = 0 : i64, scratch_operands = 0 : i64, tpu.core_type = #tpu.core_type<tc>, window_params = [{pipeline_mode = #tpu.pipeline_mode<synchronous>, transform_indices = @transform_0, window_bounds = array<i64: 1, 1024>}, {transform_indices = @transform_1, window_bounds = array<i64: 2304, 256>}, {pipeline_mode = #tpu.pipeline_mode<synchronous>, transform_indices = @transform_2, window_bounds = array<i64: 1024, 256>}, {transform_indices = @transform_3, window_bounds = array<i64: 1, 1, 2304>}, {transform_indices = @transform_4, window_bounds = array<i64: 1, 1>}]} {
    %get3A = arith.constant 0 : index
    %get3A_0 = arith.constant 0 : index
    %get3A_1 = vector.load %arg2[%get3A, %get3A_0] : memref<2304x256xf32, #tpu.memory_space<vmem>>, vector<2304x256xf32>
    %mul3A = arith.mulf %get3A_1, %get3A_1 : vector<2304x256xf32>
    %reduce_sum3A = arith.constant dense<0.000000e+00> : vector<2304xf32>
    %reduce_sum3A_2 = vector.multi_reduction <add>, %mul3A, %reduce_sum3A [1] : vector<2304x256xf32> to vector<2304xf32>
    %broadcast_in_dim3A = vector.shape_cast %reduce_sum3A_2 : vector<2304xf32> to vector<2304x1xf32>
    %mul3A_3 = arith.constant -2.000000e+00 : f32
    %mul3A_4 = vector.broadcast %mul3A_3 : f32 to vector<2304x256xf32>
    %mul3A_5 = arith.mulf %get3A_1, %mul3A_4 : vector<2304x256xf32>
    %get3A_6 = arith.constant 0 : index
    %get3A_7 = arith.constant 0 : index
    %get3A_8 = vector.load %arg3[%get3A_6, %get3A_7] : memref<1024x256xf32, #tpu.memory_space<vmem>>, vector<1024x256xf32>
    %dot_general3A = arith.constant dense<0.000000e+00> : vector<2304x1024xf32>
    %dot_general3A_9 = tpu.matmul %mul3A_5, %get3A_8, %dot_general3A {dimension_numbers = #tpu.dot_dimension_numbers<[1], [1], [0], [0], [0, 0, 1, 0], [], []>, transpose_lhs_hint = false} : vector<2304x256xf32>, vector<1024x256xf32>, vector<2304x1024xf32> -> vector<2304x1024xf32>
    %get3A_10 = arith.constant 0 : index
    %get3A_11 = arith.constant 0 : index
    %get3A_12 = vector.load %arg1[%get3A_10, %get3A_11] : memref<1x1024xf32, #tpu.memory_space<vmem>>, vector<1x1024xf32>
    %add3A = vector.broadcast %broadcast_in_dim3A : vector<2304x1xf32> to vector<2304x1024xf32>
    %add3A_13 = vector.broadcast %get3A_12 : vector<1x1024xf32> to vector<2304x1024xf32>
    %add3A_14 = arith.addf %add3A, %add3A_13 : vector<2304x1024xf32>
    %add3A_15 = arith.addf %add3A_14, %dot_general3A_9 : vector<2304x1024xf32>
    %reduce_min3A = arith.constant dense<0x7F800000> : vector<2304xf32>
    %reduce_min3A_16 = vector.multi_reduction <minimumf>, %add3A_15, %reduce_min3A [1] : vector<2304x1024xf32> to vector<2304xf32>
    %broadcast_in_dim3A_17 = vector.shape_cast %reduce_min3A_16 : vector<2304xf32> to vector<2304x1xf32>
    %iota3A = tpu.iota {dimensions = array<i32: 1>} : vector<2304x1024xi32>
    %convert_element_type3A = arith.sitofp %iota3A : vector<2304x1024xi32> to vector<2304x1024xf32>
    %eq3A = vector.broadcast %broadcast_in_dim3A_17 : vector<2304x1xf32> to vector<2304x1024xf32>
    %eq3A_18 = arith.cmpf oeq, %add3A_15, %eq3A : vector<2304x1024xf32>
    %jit3A = arith.constant 1.024000e+03 : f32
    %broadcast_in_dim3A_19 = vector.broadcast %jit3A : f32 to vector<2304x1024xf32>
    %select_n3A = arith.select %eq3A_18, %convert_element_type3A, %broadcast_in_dim3A_19 : vector<2304x1024xi1>, vector<2304x1024xf32>
    %reduce_min3A_20 = arith.constant dense<0x7F800000> : vector<2304xf32>
    %reduce_min3A_21 = vector.multi_reduction <minimumf>, %select_n3A, %reduce_min3A_20 [1] : vector<2304x1024xf32> to vector<2304xf32>
    %convert_element_type3A_22 = arith.fptosi %reduce_min3A_21 : vector<2304xf32> to vector<2304xi32>
    %swap3A = arith.constant 0 : index
    %swap3A_23 = arith.constant 0 : index
    %swap3A_24 = arith.constant 0 : index
    %swap3A_25 = vector.load %arg4[%swap3A, %swap3A_23, %swap3A_24] : memref<1x1x2304xi32, #tpu.memory_space<vmem>>, vector<1x1x2304xi32>
    %swap3A_26 = vector.shape_cast %swap3A_25 : vector<1x1x2304xi32> to vector<2304xi32>
    %swap3A_27 = vector.shape_cast %convert_element_type3A_22 : vector<2304xi32> to vector<1x1x2304xi32>
    tpu.vector_store %arg4[%swap3A, %swap3A_23, %swap3A_24], %swap3A_27 {strides = array<i32>} : memref<1x1x2304xi32, #tpu.memory_space<vmem>>, vector<1x1x2304xi32>,
    %reduce_sum3A_28 = vector.shape_cast %broadcast_in_dim3A_17 : vector<2304x1xf32> to vector<1x2304x1xf32>
    %reduce_sum3A_29 = arith.constant dense<0.000000e+00> : vector<1xf32>
    %reduce_sum3A_30 = vector.multi_reduction <add>, %reduce_sum3A_28, %reduce_sum3A_29 [1, 2] : vector<1x2304x1xf32> to vector<1xf32>
    %reduce_sum3A_31 = vector.shape_cast %reduce_sum3A_30 : vector<1xf32> to vector<1x1x1xf32>
    %reduce_sum3A_32 = vector.extract %reduce_sum3A_31[0, 0, 0] : f32 from vector<1x1x1xf32>
    %eq3A_33 = arith.constant 0 : i32
    %eq3A_34 = arith.cmpi eq, %arg0, %eq3A_33 : i32
    %convert_element_type3A_35 = arith.extui %eq3A_34 : i1 to i32
    %cond3A = arith.constant 0 : i32
    %cond3A_36 = arith.cmpi ne, %convert_element_type3A_35, %cond3A : i32
    scf.if %cond3A_36 {
      %swap3A_41 = arith.constant 0 : index
      %swap3A_42 = arith.constant 0 : index
      %swap3A_43 = memref.load %arg5[%swap3A_41, %swap3A_42] : memref<1x1xf32, #tpu.memory_space<smem>>
      memref.store %reduce_sum3A_32, %arg5[%swap3A_41, %swap3A_42] : memref<1x1xf32, #tpu.memory_space<smem>>
    } else {
    }
    %ne3A = arith.constant 0 : i32
    %ne3A_37 = arith.cmpi ne, %arg0, %ne3A : i32
    %convert_element_type3A_38 = arith.extui %ne3A_37 : i1 to i32
    %cond3A_39 = arith.constant 0 : i32
    %cond3A_40 = arith.cmpi ne, %convert_element_type3A_38, %cond3A_39 : i32
    scf.if %cond3A_40 {
      %get3A_41 = arith.constant 0 : index
      %get3A_42 = arith.constant 0 : index
      %get3A_43 = memref.load %arg5[%get3A_41, %get3A_42] : memref<1x1xf32, #tpu.memory_space<smem>>
      %add3A_44 = arith.addf %get3A_43, %reduce_sum3A_32 : f32
      %swap3A_45 = arith.constant 0 : index
      %swap3A_46 = arith.constant 0 : index
      %swap3A_47 = memref.load %arg5[%swap3A_45, %swap3A_46] : memref<1x1xf32, #tpu.memory_space<smem>>
      memref.store %add3A_44, %arg5[%swap3A_45, %swap3A_46] : memref<1x1xf32, #tpu.memory_space<smem>>
    } else {
    }
    return
  }
  func.func @transform_0(%arg0: i32) -> (i32, i32) {
    %c0_i32 = arith.constant 0 : i32
    %c0_i32_0 = arith.constant 0 : i32
    %c0_i32_1 = arith.constant 0 : i32
    return %c0_i32, %c0_i32_0 : i32, i32
  }
  func.func @transform_1(%arg0: i32) -> (i32, i32) {
    %c0_i32 = arith.constant 0 : i32
    %c0_i32_0 = arith.constant 0 : i32
    return %arg0, %c0_i32 : i32, i32
  }
  func.func @transform_2(%arg0: i32) -> (i32, i32) {
    %c0_i32 = arith.constant 0 : i32
    %c0_i32_0 = arith.constant 0 : i32
    %c0_i32_1 = arith.constant 0 : i32
    return %c0_i32, %c0_i32_0 : i32, i32
  }
  func.func @transform_3(%arg0: i32) -> (i32, i32, i32) {
    %c0_i32 = arith.constant 0 : i32
    %c0_i32_0 = arith.constant 0 : i32
    %c0_i32_1 = arith.constant 0 : i32
    return %arg0, %c0_i32, %c0_i32_0 : i32, i32, i32
  }
  func.func @transform_4(%arg0: i32) -> (i32, i32) {
    %c0_i32 = arith.constant 0 : i32
    %c0_i32_0 = arith.constant 0 : i32
    %c0_i32_1 = arith.constant 0 : i32
    return %c0_i32, %c0_i32_0 : i32, i32
  }
}

</mosaic_0001>

<sc_bundles>
// kernel: kernel.6.cloned.1.call-start
scs
__scs_entry_jumppad:
0x0: {  	(pc) =	sbr.rel $0x88, $3  }
0x1: {  	(tag) =	ssettag $0x0;
	lr =	simm.s32 $0x1  }
0x2: {  	[smem:$0x3F9E] =	sst lr;
	_ =	strace $0xD0000000  }
0x3: {  	_ = 	snop  }
0x4: {  	_ = 	snop  }
0x5: {  	_ = 	snop  }
0x6: {  	_ = 	snop  }
0x7: {  	_ = 	snop  }
__scs_overlays_trampoline_lowered:
0x8: {  	[smem:$0x3FAD] =	sst s0  }
0x9: {  	[smem:$0x3FAE] =	sst s1  }
0xa: {  	[smem:$0x3FAF] =	sst s2  }
0xb: {  	[smem:$0x3FB0] =	sst s3  }
0xc: {  	[smem:$0x3FB1] =	sst s4  }
0xd: {  	[smem:$0x3FB2] =	sst s5  }
0xe: {  	[smem:$0x3FB3] =	sst s6  }
0xf: {  	[smem:$0x3FB4] =	sst s7  }
0x10: {  	[smem:$0x3FB5] =	sst s8  }
0x11: {  	[smem:$0x3FB6] =	sst s9;
	s0 =	simm.s32 @!p0 $0x0  }
0x12: {  	s1 =	sld [smem:$0x3F9C];
	s0 =	simm.s32 @p0 $0x1  }
0x13: {  	[smem:$0x3FB7] =	sst s0;
	s0 =	simm.s32 @!p1 $0x0  }
0x14: {  	s2 =	sld [smem:$0x3F9B];
	s0 =	simm.s32 @p1 $0x1  }
0x15: {  	[smem:$0x3FB8] =	sst s0;
	s0 =	simm.s32 @!p2 $0x0  }
0x16: {  	s3 =	sld [smem:$0x3FDB];
	s0 =	simm.s32 @p2 $0x1  }
0x17: {  	s4 =	simm.s32 $0x1BF5;
	[smem:$0x3FBA] =	sst s0  }
0x18: {  	s0 =	sld [smem:$0x3F9D];
	_ =	swait.ge [sflag:s4], $0x0  }
0x19: {  	s7 =	sld [smem:$0x3F9E]  }
0x1a: {  	s8 =	sadd.s32 $0xFFFFE003, lr  }
0x1b: {  	s9 =	sadd.s32 $0xFFFFFEF7, lr;
	s5 =	simm.s32 $0xFFFFFFFF;
	p2 =	slt.u32 s8, $0xFFFFF086  }
0x1c: {  	p1 =	slt.u32 s9, $0xF7A;
	s5 =	simm.s32 @!p2 $0x0  }
0x1d: {  	s5 =	simm.s32 @p1 $0x1;
	p0 =	seq.s32 s7, s2  }
0x1e: {  	s7 =	smul.u32 @!p0 $0xF7A, s2;
	p2 =	seq.s32 @!p0 s5, $0x0  }
0x1f: {  	s9 =	smul.u32 $0xF7A, s1;
	s8 =	simm.s32 @!p0 $0x1BF5;
	p2 =	por !p2, p0  }
0x20: {  	[sflag:s8] =	ssyncset.s32 @!p0 $0xFFFFF086;
	s6 =	sadd.s32 @!p0 s3, s7;
	s7 =	simm.s32 @!p0 $0x108  }
0x21: {  	s3 =	sadd.s32 s3, s9;
	s6 =	sadd.s32 @!p0 $0x88, s6;
	s7 =	simm.s32 @p2 $0x1082  }
0x22: {  	[simem:s7], [sflag:s8] =	dma.local @!p0 [hbm:s6], $0xF7A  }
0x23: {  	s9 =	sor.u32 $0xD0000000, s2;
	s6 =	simm.s32 $0x108;
	_ =	swait.ge @!p0 [sflag:s8], $0x0  }
0x24: {  	s3 =	sadd.s32 $0x88, s3;
	s6 =	simm.s32 @!p1 $0x1082;
	[sflag:s4] =	ssyncset.s32 $0xFFFFF086  }
0x25: {  	[simem:s6], [sflag:s4] =	dma.local [hbm:s3], $0xF7A  }
0x26: {  	[smem:$0x3F9E] =	sst s1;
	(tag) =	ssettag s2;
	_ =	strace s9  }
0x27: {  	s1 =	sld [smem:$0x3FAE]  }
0x28: {  	s2 =	sld [smem:$0x3FAF]  }
0x29: {  	s4 =	sld [smem:$0x3FB1]  }
0x2a: {  	p0 =	seq.s32 s5, $0x0;
	s5 =	sld [smem:$0x3FB2]  }
0x2b: {  	s6 =	sld [smem:$0x3FB3]  }
0x2c: {  	s7 =	sld [smem:$0x3FB4]  }
0x2d: {  	s3 =	simm.s32 $0x108;
	s8 =	sld [smem:$0x3FB5]  }
0x2e: {  	s3 =	simm.s32 @!p0 $0x1082;
	s9 =	sld [smem:$0x3FB6]  }
0x2f: {  	lr =	sadd.s32 s0, s3;
	s0 =	sld [smem:$0x3FAD]  }
0x30: {  	s3 =	sld [smem:$0x3FB0]  }
0x31: {  	[smem:$0x3FB9] =	sst s10  }
0x32: {  	s10 =	sld [smem:$0x3FB7];
	_ =	sdelay $0x3  }
0x33: {  	p0 =	seq.s32 s10, $0x1;
	s10 =	sld [smem:$0x3FB9];
	_ =	sdelay $0x3  }
0x34: {  	[smem:$0x3FB9] =	sst s10  }
0x35: {  	s10 =	sld [smem:$0x3FB8];
	_ =	sdelay $0x3  }
0x36: {  	p1 =	seq.s32 s10, $0x1;
	s10 =	sld [smem:$0x3FB9];
	_ =	sdelay $0x3  }
0x37: {  	[smem:$0x3FB9] =	sst s10  }
0x38: {  	s10 =	sld [smem:$0x3FBA]  }
0x39: {  	_ = 	snop;
	(pc) =	sbr.ind lr, $3  }
0x3a: {  	_ = 	snop  }
0x3b: {  	_ = 	snop  }
0x3c: {  	p2 =	seq.s32 s10, $0x1;
	s10 =	sld [smem:$0x3FB9]  }
0x3d: {  	_ =	shalt  }
0x3e: {  	_ =	shalt  }
0x3f: {  	_ =	shalt  }
0x40: {  	_ =	shalt  }
0x41: {  	_ =	shalt  }
0x42: {  	_ =	shalt  }
0x43: {  	_ =	shalt  }
0x44: {  	_ =	shalt  }
0x45: {  	_ =	shalt  }
0x46: {  	_ =	shalt  }
0x47: {  	_ =	shalt  }
0x48: {  	_ =	shalt  }
0x49: {  	_ =	shalt  }
0x4a: {  	_ =	shalt  }
0x4b: {  	_ =	shalt  }
0x4c: {  	_ =	shalt  }
0x4d: {  	_ =	shalt  }
0x4e: {  	_ =	shalt  }
0x4f: {  	_ =	shalt  }
0x50: {  	_ =	shalt  }
0x51: {  	_ =	shalt  }
0x52: {  	_ =	shalt  }
0x53: {  	_ =	shalt  }
0x54: {  	_ =	shalt  }
0x55: {  	_ =	shalt  }
0x56: {  	_ =	shalt  }
0x57: {  	_ =	shalt  }
0x58: {  	_ =	shalt  }
0x59: {  	_ =	shalt  }
0x5a: {  	_ =	shalt  }
0x5b: {  	_ =	shalt  }
0x5c: {  	_ =	shalt  }
0x5d: {  	_ =	shalt  }
0x5e: {  	_ =	shalt  }
0x5f: {  	_ =	shalt  }
0x60: {  	_ =	shalt  }
0x61: {  	_ =	shalt  }
0x62: {  	_ =	shalt  }
0x63: {  	_ =	shalt  }
0x64: {  	_ =	shalt  }
0x65: {  	_ =	shalt  }
0x66: {  	_ =	shalt  }
0x67: {  	_ =	shalt  }
0x68: {  	_ =	shalt  }
0x69: {  	_ =	shalt  }
0x6a: {  	_ =	shalt  }
0x6b: {  	_ =	shalt  }
0x6c: {  	_ =	shalt  }
0x6d: {  	_ =	shalt  }
0x6e: {  	_ =	shalt  }
0x6f: {  	_ =	shalt  }
0x70: {  	_ =	shalt  }
0x71: {  	_ =	shalt  }
0x72: {  	_ =	shalt  }
0x73: {  	_ =	shalt  }
0x74: {  	_ =	shalt  }
0x75: {  	_ =	shalt  }
0x76: {  	_ =	shalt  }
0x77: {  	_ =	shalt  }
0x78: {  	_ =	shalt  }
0x79: {  	_ =	shalt  }
0x7a: {  	_ =	shalt  }
0x7b: {  	_ =	shalt  }
0x7c: {  	_ =	shalt  }
0x7d: {  	_ =	shalt  }
0x7e: {  	_ =	shalt  }
0x7f: {  	_ =	shalt  }
0x80: {  	_ =	shalt  }
0x81: {  	_ =	shalt  }
0x82: {  	_ =	shalt  }
0x83: {  	_ =	shalt  }
0x84: {  	_ =	shalt  }
0x85: {  	_ =	shalt  }
0x86: {  	_ =	shalt  }
0x87: {  	_ =	shalt  }
.Lfunc_end0:
.L_simem_size_0:
called_computation_lowered:
.L_overlay_start_0:
0x88: {  	s2 =	sld [smem:$0x3FD9]  }
0x89: {  	s3 =	sld [smem:$0x3FFE];
	_ =	sdelay $0x1  }
0x8a: {  	s1 =	srdreg.scid  }
0x8b: {  	s0 =	sand.u32 $0x1, s1  }
0x8c: {  	s14 =	sshll.u32 s0, $0xA;
	s2 =	sadd.s32 s3, s2  }
0x8d: {  	s2 =	sadd.s32 s2, s14  }
0x8e: {  	[smem:$0x3FC5] =	sst s2  }
0x8f: {  	_ = 	snop  }
0x90: {  	s2 =	sld [smem:$0x3FD0];
	_ =	sdelay $0x2  }
0x91: {  	s4 =	simm.s32 $0xA;
	s5 =	simm.s32 $0x10;
	s15 =	sld [smem:$0x3FC8]  }
0x92: {  	[smem:s5], [sflag:s4] =	dma.local [hbm:s2], $0x1  }
0x93: {  	_ =	swait.eq [sflag:s4], $0x1  }
0x94: {  	[sflag:s4] =	ssyncset.done $0x0  }
0x95: {  	[sflag:s4] =	ssyncadd.s32 $0xFFFFFFFF  }
0x96: {  	s16 =	sld [smem:$0x11];
	(tm) =	ssettm $0x1  }
0x97: {  	s17 =	sld [smem:$0x3FFB];
	_ =	sdelay $0x3  }
0x98: {  	_ =	strace s17  }
0x99: {  	s4 =	sld [smem:$0x3FFC];
	_ =	sdelay $0x3  }
0x9a: {  	_ =	strace s4  }
0x9b: {  	s4 =	sld [smem:$0x3FFD];
	_ =	sdelay $0x3  }
0x9c: {  	_ =	strace s4  }
0x9d: {  	_ =	strace $0x8FFFFFFF  }
0x9e: {  	s18 =	sld [smem:$0x3FDB];
	_ =	sdelay $0x1  }
0x9f: {  	s19 =	simm.s32 $_scs_section_size  }
0xa0: {  	s6 =	simm.s32 $_size__tile_overlayer_lowered;
	s7 =	simm.s32 $_tile_overlayer_lowered  }
0xa1: {  	s22 =	simm.s32 $0x1BFF;
	s21 =	sshll.u32 s7, $0x1;
	s4 =	sadd.s32 s19, s18  }
0xa2: {  	s8 =	simm.s32 $0x0;
	s20 =	sshll.u32 s6, $0x1;
	s6 =	sadd.s32 s21, s4  }
0xa3: {  	[timem:s8], [sflag:s22] =	dma.local [hbm:s6], s20  }
0xa4: {  	_ =	swait.ge [sflag:s22], s20  }
0xa5: {  	s5 =	ssub.s32 $0x0, s20;
	[sflag:s22] =	ssyncset.done $0x0  }
0xa6: {  	[sflag:s22] =	ssyncadd.s32 s5;
	_ =	sdelay $0x1  }
0xa7: {  	s23 =	simm.s32 $0x1B8B  }
0xa8: {  	_ =	swait.ge [sflag:s23], $0x1  }
0xa9: {  	[sflag:s23] =	ssyncset.done $0x0  }
0xaa: {  	s25 =	simm.s32 $0x1B8E;
	s24 =	sld [smem:$0x3FFE];
	[sflag:s23] =	ssyncadd.s32 $0xFFFFFFFF  }
0xab: {  	s26 =	simm.s32 $execute0_lowered;
	[smem:$0x3FD2] =	sst s25  }
0xac: {  	s6 =	sshll.u32 s26, $0x1;
	_ =	strace $0x80000046;
	[dreg:$0x1] =	wrdreg $0xFFFFFFFF  }
0xad: {  	s28 =	simm.s32 $_size_execute0_lowered;
	s4 =	sadd.s32 s4, s6;
	[dreg:$0x0] =	wrdreg $0x0  }
0xae: {  	s6 =	sshll.u32 s28, $0x1;
	[dreg:$0x2] =	wrdreg s4  }
0xaf: {  	[dreg:$0x3] =	wrdreg s6  }
0xb0: {  	[dreg:$0x4] =	wrdreg $0xC0  }
0xb1: {  	_ =	task [dreg:s8], $0x5FFFF  }
0xb2: {  	[dreg:$0x1] =	wrdreg $0xFFFFFFFF  }
0xb3: {  	[dreg:$0x0] =	wrdreg $0x60  }
0xb4: {  	[dreg:$0x2] =	wrdreg s15  }
0xb5: {  	[dreg:$0x3] =	wrdreg s16  }
0xb6: {  	[dreg:$0x4] =	wrdreg s24  }
0xb7: {  	[dreg:$0x5] =	wrdreg $0x9  }
0xb8: {  	_ =	task.clear_ibuf [dreg:s8], $0x6FFFF;
	_ =	strace $0x90000046  }
0xb9: {  	s29 =	simm.s32 $0x9;
	_ =	strace $0x80000048  }
0xba: {  	_ =	swait.ge [sflag:s29], $0x1  }
0xbb: {  	[sflag:s29] =	ssyncadd.s32 $0xFFFFFFFF  }
0xbc: {  	_ =	strace $0x90000048  }
0xbd: {  	_ =	sfence  }
0xbe: {  	s30 =	sld [smem:$0x0];
	_ =	sdelay $0x2  }
0xbf: {  	s31 =	sshll.u32 s1, $0xD;
	s1 =	sshrl.u32 s1, $0x2  }
0xc0: {  	s3 =	sand.u32 $0x4000, s31;
	s1 =	sadd.s32 s1, s30  }
0xc1: {  	s0 =	sor.u32 s3, s0;
	s1 =	sshll.u32 s1, $0x11  }
0xc2: {  	s0 =	sor.u32 s1, s0  }
0xc3: {  	s0 =	sadd.s32 $0x8F2B, s0  }
0xc4: {  	[sflag:s0] =	ssyncadd.remote.s32 $0x1  }
0xc5: {  	_ =	sfence.sel $0xFFFF  }
0xc6: {  	[dreg:$0x0] =	wrdreg $0xFFFFFFFF;
	(pc) =	sbr.abs _section_cstart, $3  }
0xc7: {  	[dreg:$0x1] =	wrdreg $0xFFFFFFFF  }
0xc8: {  	_ =	task.clear_ibuf [dreg:s8], $0x2FFFF;
	_ =	strace $0x9FFFFFFF  }
0xc9: {  	(tm) =	ssettm $0x7FFFFFFF  }
tec
execute0_lowered:
.L_overlay_start_1:
0x0: {  	(tag) =	ssettag $0x1  }
0x1: {  	s1 =	rddreg [dreg:$0x0]  }
0x2: {  	s8 =	rddreg [dreg:$0x1]  }
0x3: {  	s2 =	srdreg.scid;
	s0 =	stileid.u32  }
0x4: {  	s4 =	rddreg [dreg:$0x2];
	s3 =	simm.s32 $0x0;
	s14 =	simm.s32 $0x1080  }
0x5: {  	s15 =	simm.s32 $0x1880;
	s16 =	simm.s32 $0x2080;
	s17 =	simm.s32 $0x2880  }
0x6: {  	s18 =	simm.s32 $0x3080;
	s19 =	simm.s32 $0x3880;
	s20 =	simm.s32 $0x4080  }
0x7: {  	s21 =	simm.s32 $0x4880;
	s22 =	simm.s32 $0x5080;
	s23 =	simm.s32 $0x5880  }
0x8: {  	s5 =	sand.u32 $0x1, s2;
	s6 =	sshll.u32 s0, $0x1;
	s2 =	rddreg [dreg:$0x3]  }
0x9: {  	s24 =	simm.s32 $0x1;
	[smem:$0x7FF] =	sst s3;
	s6 =	sor.u32 s5, s6  }
0xa: {  	s9 =	sadd.s32 $0x1200, s4;
	s5 =	ssub.s32 $0x2, s5;
	s7 =	smul.u32 $0x120, s6  }
0xb: {  	_ =	strace $0x80000047;
	s28 =	sshrl.u32 s5, $0x1;
	s6 =	smul.u32 $0x2400, s6  }
0xc: {  	s12 =	ssub.s32 s5, s28;
	s10 =	sshrl.u32 s7, $0x3;
	s11 =	sadd.s32 $0x60, s7  }
0xd: {  	s5 =	sadd.s32 s9, s6;
	s7 =	sadd.s32 $0xC0, s7;
	s4 =	sadd.s32 s8, s10  }
0xe: {  	s29 =	sshrl.u32 s11, $0x3;
	s30 =	sshll.u32 s11, $0x5;
	s31 =	sshrl.u32 s7, $0x3  }
0xf: {  	v2 =	vlaneseq.u32;
	s13 =	sshll.u32 s7, $0x5;
	s10 =	smax.u32 s12, $0x1;
	s11 =	simm.s32 $0x2  }
0x10: {  	vm0 =	vmmov $0xffff;
	v1 =	vshrl.u32 v2, $0x3;
	s12 =	simm.s32 $0x80;
	s6 =	sadd.s32 s8, s29;
	s7 =	sadd.s32 s9, s30  }
0x11: {  	v0 =	vand.u32 $0x7, v2;
	v2 =	vor.u32 $0x8, v2;
	v1 =	vmul.u32 $0x8, v1;
	s8 =	sadd.s32 s8, s31;
	s9 =	sadd.s32 s9, s13;
	s13 =	simm.s32 $0x880  }
.LBB2_1:
0x12: {  	[tilespmem:s3], [sflag:$0x2] =	stream.linear.gather [hbm4b:s4+s3], $0x60, $0x38;
	[tilespmem:$0x6080] =	vst v63  }
0x13: {  	_ =	swait.ge [sflag:s11], $0x60  }
0x14: {  	[sflag:s11] =	ssyncset.done $0x0  }
0x15: {  	[sflag:s11] =	ssyncadd.s32 $0xFFFFFFA0  }
0x16: {  	v3 =	vld [tilespmem:$0x0];
	_ =	sdelay $0x4  }
0x17: {  	v4 =	vshll.u32 v3, $0x1  }
0x18: {  	v3 =	vand.u32 $0x7, v3;
	v4 =	vand.u32 $0xFFFFFFF0, v4  }
0x19: {  	v3 =	vor.u32 v3, v4  }
0x1a: {  	v4 =	vperm.xlane v3, v0;
	_ =	sdelay $0x1  }
0x1b: {  	v3 =	vperm.xlane v3, v2;
	v4 =	vadd.s32 v1, v4;
	_ =	sdelay $0x1  }
0x1c: {  	v3 =	vadd.s32 v1, v3;
	_ =	sdelay $0x2  }
0x1d: {  	[tilespmem:s12], [sflag:$0x1] =	stream.indirect_vreg.gather [hbm4b:s1+s3], $0x80, v4, vm0, $0xb8;
	[tilespmem:$0x6080] =	vst v63  }
0x1e: {  	_ = 	snop  }
0x1f: {  	[tilespmem:s13], [sflag:$0x1] =	stream.indirect_vreg.gather [hbm4b:s1+s3], $0x80, v3, vm0, $0xb8;
	[tilespmem:$0x6080] =	vst v63  }
0x20: {  	v3 =	vld [tilespmem:$0x10];
	_ =	sdelay $0x4  }
0x21: {  	v47 =	vshll.u32 v3, $0x1  }
0x22: {  	v3 =	vand.u32 $0x7, v3;
	v4 =	vand.u32 $0xFFFFFFF0, v47  }
0x23: {  	v3 =	vor.u32 v3, v4  }
0x24: {  	v4 =	vperm.xlane v3, v0;
	_ =	sdelay $0x1  }
0x25: {  	v3 =	vperm.xlane v3, v2;
	v4 =	vadd.s32 v1, v4;
	_ =	sdelay $0x1  }
0x26: {  	v3 =	vadd.s32 v1, v3;
	_ =	sdelay $0x2  }
0x27: {  	[tilespmem:s14], [sflag:$0x1] =	stream.indirect_vreg.gather [hbm4b:s1+s3], $0x80, v4, vm0, $0xb8;
	[tilespmem:$0x6080] =	vst v63  }
0x28: {  	_ = 	snop  }
0x29: {  	[tilespmem:s15], [sflag:$0x1] =	stream.indirect_vreg.gather [hbm4b:s1+s3], $0x80, v3, vm0, $0xb8;
	[tilespmem:$0x6080] =	vst v63  }
0x2a: {  	v3 =	vld [tilespmem:$0x20];
	_ =	sdelay $0x4  }
0x2b: {  	v48 =	vshll.u32 v3, $0x1  }
0x2c: {  	v3 =	vand.u32 $0x7, v3;
	v4 =	vand.u32 $0xFFFFFFF0, v48  }
0x2d: {  	v3 =	vor.u32 v3, v4  }
0x2e: {  	v4 =	vperm.xlane v3, v0;
	_ =	sdelay $0x1  }
0x2f: {  	v3 =	vperm.xlane v3, v2;
	v4 =	vadd.s32 v1, v4;
	_ =	sdelay $0x1  }
0x30: {  	v3 =	vadd.s32 v1, v3;
	_ =	sdelay $0x2  }
0x31: {  	[tilespmem:s16], [sflag:$0x1] =	stream.indirect_vreg.gather [hbm4b:s1+s3], $0x80, v4, vm0, $0xb8;
	[tilespmem:$0x6080] =	vst v63  }
0x32: {  	_ = 	snop  }
0x33: {  	[tilespmem:s17], [sflag:$0x1] =	stream.indirect_vreg.gather [hbm4b:s1+s3], $0x80, v3, vm0, $0xb8;
	[tilespmem:$0x6080] =	vst v63  }
0x34: {  	v3 =	vld [tilespmem:$0x30];
	_ =	sdelay $0x4  }
0x35: {  	v49 =	vshll.u32 v3, $0x1  }
0x36: {  	v3 =	vand.u32 $0x7, v3;
	v4 =	vand.u32 $0xFFFFFFF0, v49  }
0x37: {  	v3 =	vor.u32 v3, v4  }
0x38: {  	v4 =	vperm.xlane v3, v0;
	_ =	sdelay $0x1  }
0x39: {  	v3 =	vperm.xlane v3, v2;
	v4 =	vadd.s32 v1, v4;
	_ =	sdelay $0x1  }
0x3a: {  	v3 =	vadd.s32 v1, v3;
	_ =	sdelay $0x2  }
0x3b: {  	[tilespmem:s18], [sflag:$0x1] =	stream.indirect_vreg.gather [hbm4b:s1+s3], $0x80, v4, vm0, $0xb8;
	[tilespmem:$0x6080] =	vst v63  }
0x3c: {  	_ = 	snop  }
0x3d: {  	[tilespmem:s19], [sflag:$0x1] =	stream.indirect_vreg.gather [hbm4b:s1+s3], $0x80, v3, vm0, $0xb8;
	[tilespmem:$0x6080] =	vst v63  }
0x3e: {  	v3 =	vld [tilespmem:$0x40];
	_ =	sdelay $0x4  }
0x3f: {  	v50 =	vshll.u32 v3, $0x1  }
0x40: {  	v3 =	vand.u32 $0x7, v3;
	v4 =	vand.u32 $0xFFFFFFF0, v50  }
0x41: {  	v3 =	vor.u32 v3, v4  }
0x42: {  	v4 =	vperm.xlane v3, v0;
	_ =	sdelay $0x1  }
0x43: {  	v3 =	vperm.xlane v3, v2;
	v4 =	vadd.s32 v1, v4;
	_ =	sdelay $0x1  }
0x44: {  	v3 =	vadd.s32 v1, v3;
	_ =	sdelay $0x2  }
0x45: {  	[tilespmem:s20], [sflag:$0x1] =	stream.indirect_vreg.gather [hbm4b:s1+s3], $0x80, v4, vm0, $0xb8;
	[tilespmem:$0x6080] =	vst v63  }
0x46: {  	_ = 	snop  }
0x47: {  	[tilespmem:s21], [sflag:$0x1] =	stream.indirect_vreg.gather [hbm4b:s1+s3], $0x80, v3, vm0, $0xb8;
	[tilespmem:$0x6080] =	vst v63  }
0x48: {  	v3 =	vld [tilespmem:$0x50];
	_ =	sdelay $0x4  }
0x49: {  	v51 =	vshll.u32 v3, $0x1  }
0x4a: {  	v3 =	vand.u32 $0x7, v3;
	v4 =	vand.u32 $0xFFFFFFF0, v51  }
0x4b: {  	v3 =	vor.u32 v3, v4  }
0x4c: {  	v4 =	vperm.xlane v3, v0;
	_ =	sdelay $0x1  }
0x4d: {  	v3 =	vperm.xlane v3, v2;
	v4 =	vadd.s32 v1, v4;
	_ =	sdelay $0x1  }
0x4e: {  	v3 =	vadd.s32 v1, v3;
	_ =	sdelay $0x2  }
0x4f: {  	[tilespmem:s22], [sflag:$0x1] =	stream.indirect_vreg.gather [hbm4b:s1+s3], $0x80, v4, vm0, $0xb8;
	[tilespmem:$0x6080] =	vst v63  }
0x50: {  	_ = 	snop  }
0x51: {  	[tilespmem:s23], [sflag:$0x1] =	stream.indirect_vreg.gather [hbm4b:s1+s3], $0x80, v3, vm0, $0xb8;
	[tilespmem:$0x6080] =	vst v63  }
0x52: {  	_ =	swait.ge [sflag:s24], $0x6000  }
0x53: {  	[sflag:s24] =	ssyncset.done $0x0  }
0x54: {  	[sflag:s24] =	ssyncadd.s32 $0xFFFFA000  }
0x55: {  	[hbm4b:s5+s3] =	stream.linear.scatter [tilespmem:s12], [sflag:$0x2], $0x6000, $0x38;
	[tilespmem:$0x6080] =	vst v63  }
0x56: {  	_ =	swait.ge [sflag:s11], $0x6000  }
0x57: {  	[sflag:s11] =	ssyncset.done $0x0  }
0x58: {  	[sflag:s11] =	ssyncadd.s32 $0xFFFFA000  }
0x59: {  	[tilespmem:s3], [sflag:$0x2] =	stream.linear.gather [hbm4b:s6+s3], $0x60, $0x38;
	[tilespmem:$0x6080] =	vst v63  }
0x5a: {  	_ =	swait.ge [sflag:s11], $0x60  }
0x5b: {  	[sflag:s11] =	ssyncset.done $0x0  }
0x5c: {  	[sflag:s11] =	ssyncadd.s32 $0xFFFFFFA0  }
0x5d: {  	v3 =	vld [tilespmem:$0x0];
	_ =	sdelay $0x4  }
0x5e: {  	v52 =	vshll.u32 v3, $0x1  }
0x5f: {  	v3 =	vand.u32 $0x7, v3;
	v4 =	vand.u32 $0xFFFFFFF0, v52  }
0x60: {  	v3 =	vor.u32 v3, v4  }
0x61: {  	v4 =	vperm.xlane v3, v0;
	_ =	sdelay $0x1  }
0x62: {  	v3 =	vperm.xlane v3, v2;
	v4 =	vadd.s32 v1, v4;
	_ =	sdelay $0x1  }
0x63: {  	v3 =	vadd.s32 v1, v3;
	_ =	sdelay $0x2  }
0x64: {  	[tilespmem:s12], [sflag:$0x1] =	stream.indirect_vreg.gather [hbm4b:s1+s3], $0x80, v4, vm0, $0xb8;
	[tilespmem:$0x6080] =	vst v63  }
0x65: {  	_ = 	snop  }
0x66: {  	[tilespmem:s13], [sflag:$0x1] =	stream.indirect_vreg.gather [hbm4b:s1+s3], $0x80, v3, vm0, $0xb8;
	[tilespmem:$0x6080] =	vst v63  }
0x67: {  	v3 =	vld [tilespmem:$0x10];
	_ =	sdelay $0x4  }
0x68: {  	v53 =	vshll.u32 v3, $0x1  }
0x69: {  	v3 =	vand.u32 $0x7, v3;
	v4 =	vand.u32 $0xFFFFFFF0, v53  }
0x6a: {  	v3 =	vor.u32 v3, v4  }
0x6b: {  	v4 =	vperm.xlane v3, v0;
	_ =	sdelay $0x1  }
0x6c: {  	v3 =	vperm.xlane v3, v2;
	v4 =	vadd.s32 v1, v4;
	_ =	sdelay $0x1  }
0x6d: {  	v3 =	vadd.s32 v1, v3;
	_ =	sdelay $0x2  }
0x6e: {  	[tilespmem:s14], [sflag:$0x1] =	stream.indirect_vreg.gather [hbm4b:s1+s3], $0x80, v4, vm0, $0xb8;
	[tilespmem:$0x6080] =	vst v63  }
0x6f: {  	_ = 	snop  }
0x70: {  	[tilespmem:s15], [sflag:$0x1] =	stream.indirect_vreg.gather [hbm4b:s1+s3], $0x80, v3, vm0, $0xb8;
	[tilespmem:$0x6080] =	vst v63  }
0x71: {  	v3 =	vld [tilespmem:$0x20];
	_ =	sdelay $0x4  }
0x72: {  	v54 =	vshll.u32 v3, $0x1  }
0x73: {  	v3 =	vand.u32 $0x7, v3;
	v4 =	vand.u32 $0xFFFFFFF0, v54  }
0x74: {  	v3 =	vor.u32 v3, v4  }
0x75: {  	v4 =	vperm.xlane v3, v0;
	_ =	sdelay $0x1  }
0x76: {  	v3 =	vperm.xlane v3, v2;
	v4 =	vadd.s32 v1, v4;
	_ =	sdelay $0x1  }
0x77: {  	v3 =	vadd.s32 v1, v3;
	_ =	sdelay $0x2  }
0x78: {  	[tilespmem:s16], [sflag:$0x1] =	stream.indirect_vreg.gather [hbm4b:s1+s3], $0x80, v4, vm0, $0xb8;
	[tilespmem:$0x6080] =	vst v63  }
0x79: {  	_ = 	snop  }
0x7a: {  	[tilespmem:s17], [sflag:$0x1] =	stream.indirect_vreg.gather [hbm4b:s1+s3], $0x80, v3, vm0, $0xb8;
	[tilespmem:$0x6080] =	vst v63  }
0x7b: {  	v3 =	vld [tilespmem:$0x30];
	_ =	sdelay $0x4  }
0x7c: {  	v55 =	vshll.u32 v3, $0x1  }
0x7d: {  	v3 =	vand.u32 $0x7, v3;
	v4 =	vand.u32 $0xFFFFFFF0, v55  }
0x7e: {  	v3 =	vor.u32 v3, v4  }
0x7f: {  	v4 =	vperm.xlane v3, v0;
	_ =	sdelay $0x1  }
0x80: {  	v3 =	vperm.xlane v3, v2;
	v4 =	vadd.s32 v1, v4;
	_ =	sdelay $0x1  }
0x81: {  	v3 =	vadd.s32 v1, v3;
	_ =	sdelay $0x2  }
0x82: {  	[tilespmem:s18], [sflag:$0x1] =	stream.indirect_vreg.gather [hbm4b:s1+s3], $0x80, v4, vm0, $0xb8;
	[tilespmem:$0x6080] =	vst v63  }
0x83: {  	_ = 	snop  }
0x84: {  	[tilespmem:s19], [sflag:$0x1] =	stream.indirect_vreg.gather [hbm4b:s1+s3], $0x80, v3, vm0, $0xb8;
	[tilespmem:$0x6080] =	vst v63  }
0x85: {  	v3 =	vld [tilespmem:$0x40];
	_ =	sdelay $0x4  }
0x86: {  	v56 =	vshll.u32 v3, $0x1  }
0x87: {  	v3 =	vand.u32 $0x7, v3;
	v4 =	vand.u32 $0xFFFFFFF0, v56  }
0x88: {  	v3 =	vor.u32 v3, v4  }
0x89: {  	v4 =	vperm.xlane v3, v0;
	_ =	sdelay $0x1  }
0x8a: {  	v3 =	vperm.xlane v3, v2;
	v4 =	vadd.s32 v1, v4;
	_ =	sdelay $0x1  }
0x8b: {  	v3 =	vadd.s32 v1, v3;
	_ =	sdelay $0x2  }
0x8c: {  	[tilespmem:s20], [sflag:$0x1] =	stream.indirect_vreg.gather [hbm4b:s1+s3], $0x80, v4, vm0, $0xb8;
	[tilespmem:$0x6080] =	vst v63  }
0x8d: {  	_ = 	snop  }
0x8e: {  	[tilespmem:s21], [sflag:$0x1] =	stream.indirect_vreg.gather [hbm4b:s1+s3], $0x80, v3, vm0, $0xb8;
	[tilespmem:$0x6080] =	vst v63  }
0x8f: {  	v3 =	vld [tilespmem:$0x50];
	_ =	sdelay $0x4  }
0x90: {  	v57 =	vshll.u32 v3, $0x1  }
0x91: {  	v3 =	vand.u32 $0x7, v3;
	v4 =	vand.u32 $0xFFFFFFF0, v57  }
0x92: {  	v3 =	vor.u32 v3, v4  }
0x93: {  	v4 =	vperm.xlane v3, v0;
	_ =	sdelay $0x1  }
0x94: {  	v3 =	vperm.xlane v3, v2;
	v4 =	vadd.s32 v1, v4;
	_ =	sdelay $0x1  }
0x95: {  	v3 =	vadd.s32 v1, v3;
	_ =	sdelay $0x2  }
0x96: {  	[tilespmem:s22], [sflag:$0x1] =	stream.indirect_vreg.gather [hbm4b:s1+s3], $0x80, v4, vm0, $0xb8;
	[tilespmem:$0x6080] =	vst v63  }
0x97: {  	_ = 	snop  }
0x98: {  	[tilespmem:s23], [sflag:$0x1] =	stream.indirect_vreg.gather [hbm4b:s1+s3], $0x80, v3, vm0, $0xb8;
	[tilespmem:$0x6080] =	vst v63  }
0x99: {  	_ =	swait.ge [sflag:s24], $0x6000  }
0x9a: {  	[sflag:s24] =	ssyncset.done $0x0  }
0x9b: {  	[sflag:s24] =	ssyncadd.s32 $0xFFFFA000  }
0x9c: {  	[hbm4b:s7+s3] =	stream.linear.scatter [tilespmem:s12], [sflag:$0x2], $0x6000, $0x38;
	[tilespmem:$0x6080] =	vst v63  }
0x9d: {  	_ =	swait.ge [sflag:s11], $0x6000  }
0x9e: {  	[sflag:s11] =	ssyncset.done $0x0  }
0x9f: {  	[sflag:s11] =	ssyncadd.s32 $0xFFFFA000  }
0xa0: {  	[tilespmem:s3], [sflag:$0x2] =	stream.linear.gather [hbm4b:s8+s3], $0x60, $0x38;
	[tilespmem:$0x6080] =	vst v63  }
0xa1: {  	_ =	swait.ge [sflag:s11], $0x60  }
0xa2: {  	[sflag:s11] =	ssyncset.done $0x0  }
0xa3: {  	[sflag:s11] =	ssyncadd.s32 $0xFFFFFFA0  }
0xa4: {  	v3 =	vld [tilespmem:$0x0];
	_ =	sdelay $0x4  }
0xa5: {  	v58 =	vshll.u32 v3, $0x1  }
0xa6: {  	v3 =	vand.u32 $0x7, v3;
	v4 =	vand.u32 $0xFFFFFFF0, v58  }
0xa7: {  	v3 =	vor.u32 v3, v4  }
0xa8: {  	v4 =	vperm.xlane v3, v0;
	_ =	sdelay $0x1  }
0xa9: {  	v3 =	vperm.xlane v3, v2;
	v4 =	vadd.s32 v1, v4;
	_ =	sdelay $0x1  }
0xaa: {  	v3 =	vadd.s32 v1, v3;
	_ =	sdelay $0x2  }
0xab: {  	[tilespmem:s12], [sflag:$0x1] =	stream.indirect_vreg.gather [hbm4b:s1+s3], $0x80, v4, vm0, $0xb8;
	[tilespmem:$0x6080] =	vst v63  }
0xac: {  	_ = 	snop  }
0xad: {  	[tilespmem:s13], [sflag:$0x1] =	stream.indirect_vreg.gather [hbm4b:s1+s3], $0x80, v3, vm0, $0xb8;
	[tilespmem:$0x6080] =	vst v63  }
0xae: {  	v3 =	vld [tilespmem:$0x10];
	_ =	sdelay $0x4  }
0xaf: {  	v59 =	vshll.u32 v3, $0x1  }
0xb0: {  	v3 =	vand.u32 $0x7, v3;
	v4 =	vand.u32 $0xFFFFFFF0, v59  }
0xb1: {  	v3 =	vor.u32 v3, v4  }
0xb2: {  	v4 =	vperm.xlane v3, v0;
	_ =	sdelay $0x1  }
0xb3: {  	v3 =	vperm.xlane v3, v2;
	v4 =	vadd.s32 v1, v4;
	_ =	sdelay $0x1  }
0xb4: {  	v3 =	vadd.s32 v1, v3;
	_ =	sdelay $0x2  }
0xb5: {  	[tilespmem:s14], [sflag:$0x1] =	stream.indirect_vreg.gather [hbm4b:s1+s3], $0x80, v4, vm0, $0xb8;
	[tilespmem:$0x6080] =	vst v63  }
0xb6: {  	_ = 	snop  }
0xb7: {  	[tilespmem:s15], [sflag:$0x1] =	stream.indirect_vreg.gather [hbm4b:s1+s3], $0x80, v3, vm0, $0xb8;
	[tilespmem:$0x6080] =	vst v63  }
0xb8: {  	v3 =	vld [tilespmem:$0x20];
	_ =	sdelay $0x4  }
0xb9: {  	v60 =	vshll.u32 v3, $0x1  }
0xba: {  	v3 =	vand.u32 $0x7, v3;
	v4 =	vand.u32 $0xFFFFFFF0, v60  }
0xbb: {  	v3 =	vor.u32 v3, v4  }
0xbc: {  	v4 =	vperm.xlane v3, v0;
	_ =	sdelay $0x1  }
0xbd: {  	v3 =	vperm.xlane v3, v2;
	v4 =	vadd.s32 v1, v4;
	_ =	sdelay $0x1  }
0xbe: {  	v3 =	vadd.s32 v1, v3;
	_ =	sdelay $0x2  }
0xbf: {  	[tilespmem:s16], [sflag:$0x1] =	stream.indirect_vreg.gather [hbm4b:s1+s3], $0x80, v4, vm0, $0xb8;
	[tilespmem:$0x6080] =	vst v63  }
0xc0: {  	_ = 	snop  }
0xc1: {  	[tilespmem:s17], [sflag:$0x1] =	stream.indirect_vreg.gather [hbm4b:s1+s3], $0x80, v3, vm0, $0xb8;
	[tilespmem:$0x6080] =	vst v63  }
0xc2: {  	v3 =	vld [tilespmem:$0x30];
	_ =	sdelay $0x4  }
0xc3: {  	v61 =	vshll.u32 v3, $0x1  }
0xc4: {  	v3 =	vand.u32 $0x7, v3;
	v4 =	vand.u32 $0xFFFFFFF0, v61  }
0xc5: {  	v3 =	vor.u32 v3, v4  }
0xc6: {  	v4 =	vperm.xlane v3, v0;
	_ =	sdelay $0x1  }
0xc7: {  	v3 =	vperm.xlane v3, v2;
	v4 =	vadd.s32 v1, v4;
	_ =	sdelay $0x1  }
0xc8: {  	v3 =	vadd.s32 v1, v3;
	_ =	sdelay $0x2  }
0xc9: {  	[tilespmem:s18], [sflag:$0x1] =	stream.indirect_vreg.gather [hbm4b:s1+s3], $0x80, v4, vm0, $0xb8;
	[tilespmem:$0x6080] =	vst v63  }
0xca: {  	_ = 	snop  }
0xcb: {  	[tilespmem:s19], [sflag:$0x1] =	stream.indirect_vreg.gather [hbm4b:s1+s3], $0x80, v3, vm0, $0xb8;
	[tilespmem:$0x6080] =	vst v63  }
0xcc: {  	v3 =	vld [tilespmem:$0x40];
	_ =	sdelay $0x4  }
0xcd: {  	v62 =	vshll.u32 v3, $0x1  }
0xce: {  	v3 =	vand.u32 $0x7, v3;
	v4 =	vand.u32 $0xFFFFFFF0, v62  }
0xcf: {  	v3 =	vor.u32 v3, v4  }
0xd0: {  	v4 =	vperm.xlane v3, v0;
	_ =	sdelay $0x1  }
0xd1: {  	v3 =	vperm.xlane v3, v2;
	v4 =	vadd.s32 v1, v4;
	_ =	sdelay $0x1  }
0xd2: {  	v3 =	vadd.s32 v1, v3;
	_ =	sdelay $0x2  }
0xd3: {  	[tilespmem:s20], [sflag:$0x1] =	stream.indirect_vreg.gather [hbm4b:s1+s3], $0x80, v4, vm0, $0xb8;
	[tilespmem:$0x6080] =	vst v63  }
0xd4: {  	_ = 	snop  }
0xd5: {  	[tilespmem:s21], [sflag:$0x1] =	stream.indirect_vreg.gather [hbm4b:s1+s3], $0x80, v3, vm0, $0xb8;
	[tilespmem:$0x6080] =	vst v63  }
0xd6: {  	v3 =	vld [tilespmem:$0x50];
	_ =	sdelay $0x4  }
0xd7: {  	v63 =	vshll.u32 v3, $0x1  }
0xd8: {  	v3 =	vand.u32 $0x7, v3;
	v4 =	vand.u32 $0xFFFFFFF0, v63  }
0xd9: {  	v3 =	vor.u32 v3, v4  }
0xda: {  	v4 =	vperm.xlane v3, v0;
	_ =	sdelay $0x1  }
0xdb: {  	v3 =	vperm.xlane v3, v2;
	v4 =	vadd.s32 v1, v4;
	_ =	sdelay $0x1  }
0xdc: {  	v3 =	vadd.s32 v1, v3;
	_ =	sdelay $0x2  }
0xdd: {  	[tilespmem:s22], [sflag:$0x1] =	stream.indirect_vreg.gather [hbm4b:s1+s3], $0x80, v4, vm0, $0xb8;
	[tilespmem:$0x6080] =	vst v63  }
0xde: {  	_ = 	snop  }
0xdf: {  	[tilespmem:s23], [sflag:$0x1] =	stream.indirect_vreg.gather [hbm4b:s1+s3], $0x80, v3, vm0, $0xb8;
	[tilespmem:$0x6080] =	vst v63  }
0xe0: {  	_ =	swait.ge [sflag:s24], $0x6000  }
0xe1: {  	p0 =	sne.s32 s10, $0x1;
	[sflag:s24] =	ssyncset.done $0x0  }
.Ltmp0:
0xe2: {  	[sflag:s24] =	ssyncadd.s32 $0xFFFFA000;
	(pc) =	sbr.rel @p0 .LBB2_1-.Ltmp0, $4  }
0xe3: {  	[hbm4b:s9+s3] =	stream.linear.scatter [tilespmem:s12], [sflag:$0x2], $0x6000, $0x38;
	[tilespmem:$0x6080] =	vst v63  }
0xe4: {  	_ =	swait.ge [sflag:s11], $0x6000  }
0xe5: {  	[sflag:s11] =	ssyncset.done $0x0  }
0xe6: {  	s10 =	sadd.s32 $0xFFFFFFFF, s10;
	[sflag:s11] =	ssyncadd.s32 $0xFFFFA000  }
0xe7: {  	_ =	sfence.sel $0x180000  }
0xe8: {  	[bflag:$0x0] =	sbarrier.arrive $0xFFFF  }
0xe9: {  	p0 =	sne.s32 s0, $0x0;
	_ =	strace $0x90000047  }
0xea: {  	s0 =	sadd.s32 @!p0 $0x100000, s2;
	[bflag:$0x2] =	sbarrier.arrive $0xFFFF  }
0xeb: {  	[sflag:s0] =	ssyncadd.tile.s32 @!p0 $0x1;
	_ =	shalt  }
.Lfunc_end2:
_tile_overlayer_lowered:
.L_overlay_start_2:
0xec: {  	(tag) =	ssettag $0x2  }
0xed: {  	s0 =	rddreg [dreg:$0x0];
	s2 =	stileid.u32  }
0xee: {  	s1 =	rddreg [dreg:$0x1];
	p0 =	sne.s32 s2, $0x0  }
0xef: {  	s3 =	rddreg [dreg:$0x2];
	[bflag:$0x3] =	sbarrier.arrive $0xFFFF;
	s2 =	simm.s32 @!p0 $0x1C02  }
0xf0: {  	[timem:s3], [sflag:s2] =	dma.local @!p0 [hbm:s0], s1  }
0xf1: {  	s0 =	simm.s32 @!p0 $0x2  }
0xf2: {  	_ =	swait.ge @!p0 [sflag:s0], s1  }
0xf3: {  	s1 =	ssub.s32 @!p0 $0x0, s1;
	[sflag:s0] =	ssyncset.done @!p0 $0x0  }
0xf4: {  	[sflag:s0] =	ssyncadd.s32 @!p0 s1  }
0xf5: {  	[bflag:$0x3] =	sbarrier.arrive $0xFFFF  }
0xf6: {  	_ =	shalt  }

// kernel: kernel.9.cloned.1.call-start
scs
__scs_entry_jumppad:
0x0: {  	(pc) =	sbr.rel $0x88, $3  }
0x1: {  	(tag) =	ssettag $0x0;
	lr =	simm.s32 $0x1  }
0x2: {  	[smem:$0x3F9E] =	sst lr;
	_ =	strace $0xD0000000  }
0x3: {  	_ = 	snop  }
0x4: {  	_ = 	snop  }
0x5: {  	_ = 	snop  }
0x6: {  	_ = 	snop  }
0x7: {  	_ = 	snop  }
__scs_overlays_trampoline_lowered:
0x8: {  	[smem:$0x3FAD] =	sst s0  }
0x9: {  	[smem:$0x3FAE] =	sst s1  }
0xa: {  	[smem:$0x3FAF] =	sst s2  }
0xb: {  	[smem:$0x3FB0] =	sst s3  }
0xc: {  	[smem:$0x3FB1] =	sst s4  }
0xd: {  	[smem:$0x3FB2] =	sst s5  }
0xe: {  	[smem:$0x3FB3] =	sst s6  }
0xf: {  	[smem:$0x3FB4] =	sst s7  }
0x10: {  	[smem:$0x3FB5] =	sst s8  }
0x11: {  	[smem:$0x3FB6] =	sst s9;
	s0 =	simm.s32 @!p0 $0x0  }
0x12: {  	s1 =	sld [smem:$0x3F9C];
	s0 =	simm.s32 @p0 $0x1  }
0x13: {  	[smem:$0x3FB7] =	sst s0;
	s0 =	simm.s32 @!p1 $0x0  }
0x14: {  	s2 =	sld [smem:$0x3F9B];
	s0 =	simm.s32 @p1 $0x1  }
0x15: {  	[smem:$0x3FB8] =	sst s0;
	s0 =	simm.s32 @!p2 $0x0  }
0x16: {  	s3 =	sld [smem:$0x3FDB];
	s0 =	simm.s32 @p2 $0x1  }
0x17: {  	s4 =	simm.s32 $0x1BF5;
	[smem:$0x3FBA] =	sst s0  }
0x18: {  	s0 =	sld [smem:$0x3F9D];
	_ =	swait.ge [sflag:s4], $0x0  }
0x19: {  	s7 =	sld [smem:$0x3F9E]  }
0x1a: {  	s8 =	sadd.s32 $0xFFFFE003, lr  }
0x1b: {  	s9 =	sadd.s32 $0xFFFFFEF7, lr;
	s5 =	simm.s32 $0xFFFFFFFF;
	p2 =	slt.u32 s8, $0xFFFFF086  }
0x1c: {  	p1 =	slt.u32 s9, $0xF7A;
	s5 =	simm.s32 @!p2 $0x0  }
0x1d: {  	s5 =	simm.s32 @p1 $0x1;
	p0 =	seq.s32 s7, s2  }
0x1e: {  	s7 =	smul.u32 @!p0 $0xF7A, s2;
	p2 =	seq.s32 @!p0 s5, $0x0  }
0x1f: {  	s9 =	smul.u32 $0xF7A, s1;
	s8 =	simm.s32 @!p0 $0x1BF5;
	p2 =	por !p2, p0  }
0x20: {  	[sflag:s8] =	ssyncset.s32 @!p0 $0xFFFFF086;
	s6 =	sadd.s32 @!p0 s3, s7;
	s7 =	simm.s32 @!p0 $0x108  }
0x21: {  	s3 =	sadd.s32 s3, s9;
	s6 =	sadd.s32 @!p0 $0x88, s6;
	s7 =	simm.s32 @p2 $0x1082  }
0x22: {  	[simem:s7], [sflag:s8] =	dma.local @!p0 [hbm:s6], $0xF7A  }
0x23: {  	s9 =	sor.u32 $0xD0000000, s2;
	s6 =	simm.s32 $0x108;
	_ =	swait.ge @!p0 [sflag:s8], $0x0  }
0x24: {  	s3 =	sadd.s32 $0x88, s3;
	s6 =	simm.s32 @!p1 $0x1082;
	[sflag:s4] =	ssyncset.s32 $0xFFFFF086  }
0x25: {  	[simem:s6], [sflag:s4] =	dma.local [hbm:s3], $0xF7A  }
0x26: {  	[smem:$0x3F9E] =	sst s1;
	(tag) =	ssettag s2;
	_ =	strace s9  }
0x27: {  	s1 =	sld [smem:$0x3FAE]  }
0x28: {  	s2 =	sld [smem:$0x3FAF]  }
0x29: {  	s4 =	sld [smem:$0x3FB1]  }
0x2a: {  	p0 =	seq.s32 s5, $0x0;
	s5 =	sld [smem:$0x3FB2]  }
0x2b: {  	s6 =	sld [smem:$0x3FB3]  }
0x2c: {  	s7 =	sld [smem:$0x3FB4]  }
0x2d: {  	s3 =	simm.s32 $0x108;
	s8 =	sld [smem:$0x3FB5]  }
0x2e: {  	s3 =	simm.s32 @!p0 $0x1082;
	s9 =	sld [smem:$0x3FB6]  }
0x2f: {  	lr =	sadd.s32 s0, s3;
	s0 =	sld [smem:$0x3FAD]  }
0x30: {  	s3 =	sld [smem:$0x3FB0]  }
0x31: {  	[smem:$0x3FB9] =	sst s10  }
0x32: {  	s10 =	sld [smem:$0x3FB7];
	_ =	sdelay $0x3  }
0x33: {  	p0 =	seq.s32 s10, $0x1;
	s10 =	sld [smem:$0x3FB9];
	_ =	sdelay $0x3  }
0x34: {  	[smem:$0x3FB9] =	sst s10  }
0x35: {  	s10 =	sld [smem:$0x3FB8];
	_ =	sdelay $0x3  }
0x36: {  	p1 =	seq.s32 s10, $0x1;
	s10 =	sld [smem:$0x3FB9];
	_ =	sdelay $0x3  }
0x37: {  	[smem:$0x3FB9] =	sst s10  }
0x38: {  	s10 =	sld [smem:$0x3FBA]  }
0x39: {  	_ = 	snop;
	(pc) =	sbr.ind lr, $3  }
0x3a: {  	_ = 	snop  }
0x3b: {  	_ = 	snop  }
0x3c: {  	p2 =	seq.s32 s10, $0x1;
	s10 =	sld [smem:$0x3FB9]  }
0x3d: {  	_ =	shalt  }
0x3e: {  	_ =	shalt  }
0x3f: {  	_ =	shalt  }
0x40: {  	_ =	shalt  }
0x41: {  	_ =	shalt  }
0x42: {  	_ =	shalt  }
0x43: {  	_ =	shalt  }
0x44: {  	_ =	shalt  }
0x45: {  	_ =	shalt  }
0x46: {  	_ =	shalt  }
0x47: {  	_ =	shalt  }
0x48: {  	_ =	shalt  }
0x49: {  	_ =	shalt  }
0x4a: {  	_ =	shalt  }
0x4b: {  	_ =	shalt  }
0x4c: {  	_ =	shalt  }
0x4d: {  	_ =	shalt  }
0x4e: {  	_ =	shalt  }
0x4f: {  	_ =	shalt  }
0x50: {  	_ =	shalt  }
0x51: {  	_ =	shalt  }
0x52: {  	_ =	shalt  }
0x53: {  	_ =	shalt  }
0x54: {  	_ =	shalt  }
0x55: {  	_ =	shalt  }
0x56: {  	_ =	shalt  }
0x57: {  	_ =	shalt  }
0x58: {  	_ =	shalt  }
0x59: {  	_ =	shalt  }
0x5a: {  	_ =	shalt  }
0x5b: {  	_ =	shalt  }
0x5c: {  	_ =	shalt  }
0x5d: {  	_ =	shalt  }
0x5e: {  	_ =	shalt  }
0x5f: {  	_ =	shalt  }
0x60: {  	_ =	shalt  }
0x61: {  	_ =	shalt  }
0x62: {  	_ =	shalt  }
0x63: {  	_ =	shalt  }
0x64: {  	_ =	shalt  }
0x65: {  	_ =	shalt  }
0x66: {  	_ =	shalt  }
0x67: {  	_ =	shalt  }
0x68: {  	_ =	shalt  }
0x69: {  	_ =	shalt  }
0x6a: {  	_ =	shalt  }
0x6b: {  	_ =	shalt  }
0x6c: {  	_ =	shalt  }
0x6d: {  	_ =	shalt  }
0x6e: {  	_ =	shalt  }
0x6f: {  	_ =	shalt  }
0x70: {  	_ =	shalt  }
0x71: {  	_ =	shalt  }
0x72: {  	_ =	shalt  }
0x73: {  	_ =	shalt  }
0x74: {  	_ =	shalt  }
0x75: {  	_ =	shalt  }
0x76: {  	_ =	shalt  }
0x77: {  	_ =	shalt  }
0x78: {  	_ =	shalt  }
0x79: {  	_ =	shalt  }
0x7a: {  	_ =	shalt  }
0x7b: {  	_ =	shalt  }
0x7c: {  	_ =	shalt  }
0x7d: {  	_ =	shalt  }
0x7e: {  	_ =	shalt  }
0x7f: {  	_ =	shalt  }
0x80: {  	_ =	shalt  }
0x81: {  	_ =	shalt  }
0x82: {  	_ =	shalt  }
0x83: {  	_ =	shalt  }
0x84: {  	_ =	shalt  }
0x85: {  	_ =	shalt  }
0x86: {  	_ =	shalt  }
0x87: {  	_ =	shalt  }
.Lfunc_end0:
.L_simem_size_0:
called_computation.1_lowered:
.L_overlay_start_0:
0x88: {  	s2 =	sld [smem:$0x3FD9]  }
0x89: {  	s3 =	sld [smem:$0x3FFE];
	_ =	sdelay $0x1  }
0x8a: {  	s1 =	srdreg.scid  }
0x8b: {  	s0 =	sand.u32 $0x1, s1  }
0x8c: {  	s14 =	sshll.u32 s0, $0xA;
	s2 =	sadd.s32 s3, s2  }
0x8d: {  	s2 =	sadd.s32 s2, s14  }
0x8e: {  	[smem:$0x3FC5] =	sst s2  }
0x8f: {  	_ = 	snop  }
0x90: {  	s2 =	sld [smem:$0x3FD0];
	_ =	sdelay $0x2  }
0x91: {  	s4 =	simm.s32 $0xA;
	s5 =	simm.s32 $0x10;
	s15 =	sld [smem:$0x3FC7]  }
0x92: {  	[smem:s5], [sflag:s4] =	dma.local [hbm:s2], $0x1  }
0x93: {  	_ =	swait.eq [sflag:s4], $0x1  }
0x94: {  	[sflag:s4] =	ssyncset.done $0x0  }
0x95: {  	[sflag:s4] =	ssyncadd.s32 $0xFFFFFFFF  }
0x96: {  	s16 =	sld [smem:$0x10];
	(tm) =	ssettm $0x1  }
0x97: {  	s17 =	sld [smem:$0x3FFB];
	_ =	sdelay $0x3  }
0x98: {  	_ =	strace s17  }
0x99: {  	s4 =	sld [smem:$0x3FFC];
	_ =	sdelay $0x3  }
0x9a: {  	_ =	strace s4  }
0x9b: {  	s4 =	sld [smem:$0x3FFD];
	_ =	sdelay $0x3  }
0x9c: {  	_ =	strace s4  }
0x9d: {  	_ =	strace $0x8FFFFFFF  }
0x9e: {  	s18 =	sld [smem:$0x3FDB];
	_ =	sdelay $0x1  }
0x9f: {  	s19 =	simm.s32 $_scs_section_size  }
0xa0: {  	s6 =	simm.s32 $_size__tile_overlayer_lowered;
	s7 =	simm.s32 $_tile_overlayer_lowered  }
0xa1: {  	s22 =	simm.s32 $0x1BFF;
	s21 =	sshll.u32 s7, $0x1;
	s4 =	sadd.s32 s19, s18  }
0xa2: {  	s8 =	simm.s32 $0x0;
	s20 =	sshll.u32 s6, $0x1;
	s6 =	sadd.s32 s21, s4  }
0xa3: {  	[timem:s8], [sflag:s22] =	dma.local [hbm:s6], s20  }
0xa4: {  	_ =	swait.ge [sflag:s22], s20  }
0xa5: {  	s5 =	ssub.s32 $0x0, s20;
	[sflag:s22] =	ssyncset.done $0x0  }
0xa6: {  	[sflag:s22] =	ssyncadd.s32 s5;
	_ =	sdelay $0x1  }
0xa7: {  	s23 =	simm.s32 $0x1B8B  }
0xa8: {  	_ =	swait.ge [sflag:s23], $0x1  }
0xa9: {  	[sflag:s23] =	ssyncset.done $0x0  }
0xaa: {  	s25 =	simm.s32 $0x1B8E;
	s24 =	sld [smem:$0x3FFE];
	[sflag:s23] =	ssyncadd.s32 $0xFFFFFFFF  }
0xab: {  	s26 =	simm.s32 $execute0_lowered;
	[smem:$0x3FD2] =	sst s25  }
0xac: {  	s6 =	sshll.u32 s26, $0x1;
	_ =	strace $0x80000049;
	[dreg:$0x1] =	wrdreg $0xFFFFFFFF  }
0xad: {  	s28 =	simm.s32 $_size_execute0_lowered;
	s4 =	sadd.s32 s4, s6;
	[dreg:$0x0] =	wrdreg $0x0  }
0xae: {  	s6 =	sshll.u32 s28, $0x1;
	[dreg:$0x2] =	wrdreg s4  }
0xaf: {  	[dreg:$0x3] =	wrdreg s6  }
0xb0: {  	[dreg:$0x4] =	wrdreg $0xC0  }
0xb1: {  	_ =	task [dreg:s8], $0x5FFFF  }
0xb2: {  	[dreg:$0x1] =	wrdreg $0xFFFFFFFF  }
0xb3: {  	[dreg:$0x0] =	wrdreg $0x60  }
0xb4: {  	[dreg:$0x2] =	wrdreg s15  }
0xb5: {  	[dreg:$0x3] =	wrdreg s24  }
0xb6: {  	[dreg:$0x4] =	wrdreg s16  }
0xb7: {  	[dreg:$0x5] =	wrdreg $0x9  }
0xb8: {  	_ =	task.clear_ibuf [dreg:s8], $0x6FFFF;
	_ =	strace $0x90000049  }
0xb9: {  	s29 =	simm.s32 $0x9;
	_ =	strace $0x8000004B  }
0xba: {  	_ =	swait.ge [sflag:s29], $0x1  }
0xbb: {  	[sflag:s29] =	ssyncadd.s32 $0xFFFFFFFF  }
0xbc: {  	_ =	strace $0x9000004B  }
0xbd: {  	_ =	sfence  }
0xbe: {  	s30 =	sld [smem:$0x0];
	_ =	sdelay $0x2  }
0xbf: {  	s31 =	sshll.u32 s1, $0xD;
	s1 =	sshrl.u32 s1, $0x2  }
0xc0: {  	s3 =	sand.u32 $0x4000, s31;
	s1 =	sadd.s32 s1, s30  }
0xc1: {  	s0 =	sor.u32 s3, s0;
	s1 =	sshll.u32 s1, $0x11  }
0xc2: {  	s0 =	sor.u32 s1, s0  }
0xc3: {  	s0 =	sadd.s32 $0x8F2B, s0  }
0xc4: {  	[sflag:s0] =	ssyncadd.remote.s32 $0x1  }
0xc5: {  	_ =	sfence.sel $0xFFFF  }
0xc6: {  	[dreg:$0x0] =	wrdreg $0xFFFFFFFF;
	(pc) =	sbr.abs _section_cstart, $3  }
0xc7: {  	[dreg:$0x1] =	wrdreg $0xFFFFFFFF  }
0xc8: {  	_ =	task.clear_ibuf [dreg:s8], $0x2FFFF;
	_ =	strace $0x9FFFFFFF  }
0xc9: {  	(tm) =	ssettm $0x7FFFFFFF  }
tec
execute0_lowered:
.L_overlay_start_1:
0x0: {  	(tag) =	ssettag $0x1  }
0x1: {  	s1 =	rddreg [dreg:$0x0]  }
0x2: {  	s0 =	rddreg [dreg:$0x1]  }
0x3: {  	s2 =	rddreg [dreg:$0x2]  }
0x4: {  	s4 =	srdreg.scid;
	s5 =	stileid.u32  }
0x5: {  	s3 =	simm.s32 $0x0;
	s14 =	simm.s32 $0x2;
	s15 =	simm.s32 $0x80  }
0x6: {  	s16 =	simm.s32 $0x880;
	s17 =	simm.s32 $0x1080;
	s18 =	simm.s32 $0x1880  }
0x7: {  	s19 =	simm.s32 $0x2080;
	s20 =	simm.s32 $0x2880;
	s21 =	simm.s32 $0x3080  }
0x8: {  	s22 =	simm.s32 $0x3880;
	s28 =	simm.s32 $0x6080;
	s29 =	simm.s32 $0x1  }
0x9: {  	s30 =	simm.s32 $0x0;
	s4 =	sand.u32 $0x1, s4;
	s5 =	sshll.u32 s5, $0x1  }
0xa: {  	[smem:$0x7FF] =	sst s3;
	s10 =	sadd.s32 $0x49200, s0;
	s5 =	sor.u32 s4, s5  }
0xb: {  	s0 =	sadd.s32 $0x1200, s0;
	s4 =	ssub.s32 $0x2, s4;
	s8 =	smul.u32 $0x120, s5  }
0xc: {  	_ =	strace $0x8000004A;
	s6 =	sshrl.u32 s4, $0x1;
	s5 =	smul.u32 $0x2400, s5  }
0xd: {  	s4 =	ssub.s32 s4, s6;
	s7 =	sshrl.u32 s8, $0x3;
	s9 =	sadd.s32 $0x60, s8  }
0xe: {  	s24 =	sadd.s32 s0, s5;
	s6 =	sadd.s32 s2, s5;
	s31 =	sadd.s32 $0xC0, s8  }
0xf: {  	s13 =	smax.u32 s4, $0x1;
	s23 =	sadd.s32 s10, s7;
	[dreg:$0x5] =	wrdreg s24  }
0x10: {  	s25 =	sshrl.u32 s9, $0x3;
	s26 =	sshll.u32 s9, $0x5;
	s11 =	sshrl.u32 s31, $0x3  }
0x11: {  	s12 =	sshll.u32 s31, $0x5;
	s24 =	simm.s32 $0x4880;
	[dreg:$0x4] =	wrdreg s23  }
0x12: {  	v2 =	vlaneseq.u32;
	s7 =	sadd.s32 s10, s25;
	s8 =	sadd.s32 s0, s26;
	s9 =	sadd.s32 s2, s26  }
0x13: {  	vm0 =	vmmov $0xffff;
	v1 =	vshrl.u32 v2, $0x3;
	s10 =	sadd.s32 s10, s11;
	s11 =	sadd.s32 s0, s12;
	s12 =	sadd.s32 s2, s12  }
0x14: {  	v0 =	vand.u32 $0x7, v2;
	v2 =	vor.u32 $0x8, v2;
	v1 =	vmul.u32 $0x8, v1;
	s23 =	simm.s32 $0x4080;
	s25 =	simm.s32 $0x5080;
	s26 =	simm.s32 $0x5880  }
.LBB2_1:
0x15: {  	s0 =	rddreg [dreg:$0x4]  }
0x16: {  	[tilespmem:s3], [sflag:$0x2] =	stream.linear.gather [hbm4b:s0+s3], $0x60, $0x38;
	[tilespmem:$0xC080] =	vst v63  }
0x17: {  	_ =	swait.ge [sflag:s14], $0x60  }
0x18: {  	[sflag:s14] =	ssyncset.done $0x0  }
0x19: {  	[sflag:s14] =	ssyncadd.s32 $0xFFFFFFA0  }
0x1a: {  	v3 =	vld [tilespmem:$0x0];
	_ =	sdelay $0x4  }
0x1b: {  	v4 =	vshll.u32 v3, $0x1  }
0x1c: {  	v3 =	vand.u32 $0x7, v3;
	v4 =	vand.u32 $0xFFFFFFF0, v4  }
0x1d: {  	v3 =	vor.u32 v3, v4  }
0x1e: {  	v4 =	vperm.xlane v3, v0;
	_ =	sdelay $0x1  }
0x1f: {  	v3 =	vperm.xlane v3, v2;
	v4 =	vadd.s32 v1, v4;
	_ =	sdelay $0x1  }
0x20: {  	v3 =	vadd.s32 v1, v3;
	_ =	sdelay $0x2  }
0x21: {  	[tilespmem:s15], [sflag:$0x1] =	stream.indirect_vreg.gather [hbm4b:s1+s3], $0x80, v4, vm0, $0xb8;
	[tilespmem:$0xC080] =	vst v63  }
0x22: {  	_ = 	snop  }
0x23: {  	[tilespmem:s16], [sflag:$0x1] =	stream.indirect_vreg.gather [hbm4b:s1+s3], $0x80, v3, vm0, $0xb8;
	[tilespmem:$0xC080] =	vst v63  }
0x24: {  	v3 =	vld [tilespmem:$0x10];
	_ =	sdelay $0x4  }
0x25: {  	v4 =	vshll.u32 v3, $0x1  }
0x26: {  	v3 =	vand.u32 $0x7, v3;
	v4 =	vand.u32 $0xFFFFFFF0, v4  }
0x27: {  	v3 =	vor.u32 v3, v4  }
0x28: {  	v4 =	vperm.xlane v3, v0;
	_ =	sdelay $0x1  }
0x29: {  	v3 =	vperm.xlane v3, v2;
	v4 =	vadd.s32 v1, v4;
	_ =	sdelay $0x1  }
0x2a: {  	v3 =	vadd.s32 v1, v3;
	_ =	sdelay $0x2  }
0x2b: {  	[tilespmem:s17], [sflag:$0x1] =	stream.indirect_vreg.gather [hbm4b:s1+s3], $0x80, v4, vm0, $0xb8;
	[tilespmem:$0xC080] =	vst v63  }
0x2c: {  	_ = 	snop  }
0x2d: {  	[tilespmem:s18], [sflag:$0x1] =	stream.indirect_vreg.gather [hbm4b:s1+s3], $0x80, v3, vm0, $0xb8;
	[tilespmem:$0xC080] =	vst v63  }
0x2e: {  	v3 =	vld [tilespmem:$0x20];
	_ =	sdelay $0x4  }
0x2f: {  	v4 =	vshll.u32 v3, $0x1  }
0x30: {  	v3 =	vand.u32 $0x7, v3;
	v4 =	vand.u32 $0xFFFFFFF0, v4  }
0x31: {  	v3 =	vor.u32 v3, v4  }
0x32: {  	v4 =	vperm.xlane v3, v0;
	_ =	sdelay $0x1  }
0x33: {  	v3 =	vperm.xlane v3, v2;
	v4 =	vadd.s32 v1, v4;
	_ =	sdelay $0x1  }
0x34: {  	v3 =	vadd.s32 v1, v3;
	_ =	sdelay $0x2  }
0x35: {  	[tilespmem:s19], [sflag:$0x1] =	stream.indirect_vreg.gather [hbm4b:s1+s3], $0x80, v4, vm0, $0xb8;
	[tilespmem:$0xC080] =	vst v63  }
0x36: {  	_ = 	snop  }
0x37: {  	[tilespmem:s20], [sflag:$0x1] =	stream.indirect_vreg.gather [hbm4b:s1+s3], $0x80, v3, vm0, $0xb8;
	[tilespmem:$0xC080] =	vst v63  }
0x38: {  	v3 =	vld [tilespmem:$0x30];
	_ =	sdelay $0x4  }
0x39: {  	v4 =	vshll.u32 v3, $0x1  }
0x3a: {  	v3 =	vand.u32 $0x7, v3;
	v4 =	vand.u32 $0xFFFFFFF0, v4  }
0x3b: {  	v3 =	vor.u32 v3, v4  }
0x3c: {  	v4 =	vperm.xlane v3, v0;
	_ =	sdelay $0x1  }
0x3d: {  	v3 =	vperm.xlane v3, v2;
	v4 =	vadd.s32 v1, v4;
	_ =	sdelay $0x1  }
0x3e: {  	v3 =	vadd.s32 v1, v3;
	_ =	sdelay $0x2  }
0x3f: {  	[tilespmem:s21], [sflag:$0x1] =	stream.indirect_vreg.gather [hbm4b:s1+s3], $0x80, v4, vm0, $0xb8;
	[tilespmem:$0xC080] =	vst v63  }
0x40: {  	_ = 	snop  }
0x41: {  	[tilespmem:s22], [sflag:$0x1] =	stream.indirect_vreg.gather [hbm4b:s1+s3], $0x80, v3, vm0, $0xb8;
	[tilespmem:$0xC080] =	vst v63  }
0x42: {  	v3 =	vld [tilespmem:$0x40];
	_ =	sdelay $0x4  }
0x43: {  	v4 =	vshll.u32 v3, $0x1  }
0x44: {  	v3 =	vand.u32 $0x7, v3;
	v4 =	vand.u32 $0xFFFFFFF0, v4  }
0x45: {  	v3 =	vor.u32 v3, v4  }
0x46: {  	v4 =	vperm.xlane v3, v0;
	_ =	sdelay $0x1  }
0x47: {  	v3 =	vperm.xlane v3, v2;
	v4 =	vadd.s32 v1, v4;
	_ =	sdelay $0x1  }
0x48: {  	v3 =	vadd.s32 v1, v3;
	_ =	sdelay $0x2  }
0x49: {  	[tilespmem:s23], [sflag:$0x1] =	stream.indirect_vreg.gather [hbm4b:s1+s3], $0x80, v4, vm0, $0xb8;
	[tilespmem:$0xC080] =	vst v63  }
0x4a: {  	_ = 	snop  }
0x4b: {  	[tilespmem:s24], [sflag:$0x1] =	stream.indirect_vreg.gather [hbm4b:s1+s3], $0x80, v3, vm0, $0xb8;
	[tilespmem:$0xC080] =	vst v63  }
0x4c: {  	v3 =	vld [tilespmem:$0x50];
	_ =	sdelay $0x4  }
0x4d: {  	v4 =	vshll.u32 v3, $0x1  }
0x4e: {  	v3 =	vand.u32 $0x7, v3;
	v4 =	vand.u32 $0xFFFFFFF0, v4  }
0x4f: {  	v3 =	vor.u32 v3, v4  }
0x50: {  	v4 =	vperm.xlane v3, v0;
	_ =	sdelay $0x1  }
0x51: {  	v3 =	vperm.xlane v3, v2;
	v4 =	vadd.s32 v1, v4;
	_ =	sdelay $0x1  }
0x52: {  	v3 =	vadd.s32 v1, v3;
	_ =	sdelay $0x2  }
0x53: {  	[tilespmem:s25], [sflag:$0x1] =	stream.indirect_vreg.gather [hbm4b:s1+s3], $0x80, v4, vm0, $0xb8;
	[tilespmem:$0xC080] =	vst v63  }
0x54: {  	_ = 	snop  }
0x55: {  	[tilespmem:s26], [sflag:$0x1] =	stream.indirect_vreg.gather [hbm4b:s1+s3], $0x80, v3, vm0, $0xb8;
	[tilespmem:$0xC080] =	vst v63  }
0x56: {  	s2 =	rddreg [dreg:$0x5]  }
0x57: {  	[tilespmem:s28], [sflag:$0x2] =	stream.linear.gather [hbm4b:s2+s3], $0x6000, $0x38;
	[tilespmem:$0xC080] =	vst v63  }
0x58: {  	_ =	swait.ge [sflag:s14], $0x6000  }
0x59: {  	[sflag:s14] =	ssyncset.done $0x0  }
0x5a: {  	[sflag:s14] =	ssyncadd.s32 $0xFFFFA000  }
0x5b: {  	_ =	swait.ge [sflag:s29], $0x6000  }
0x5c: {  	s4 =	sand.u32 $0x7800, s3;
	s2 =	sand.u32 $0x380, s3;
	[sflag:s29] =	ssyncset.done $0x0  }
0x5d: {  	s31 =	sor.u32 s2, s4;
	[sflag:s29] =	ssyncadd.s32 $0xFFFFA000  }
0x5e: {  	v3 =	vld [tilespmem:s31+$0x4F0]  }
0x5f: {  	v4 =	vld [tilespmem:s31+$0x80]  }
0x60: {  	v5 =	vld [tilespmem:s31+$0x90]  }
0x61: {  	v6 =	vld [tilespmem:s31+$0xA0]  }
0x62: {  	v7 =	vld [tilespmem:s31+$0xB0]  }
0x63: {  	v8 =	vld [tilespmem:s31+$0xC0]  }
0x64: {  	v9 =	vld [tilespmem:s31+$0xD0]  }
0x65: {  	v10 =	vld [tilespmem:s31+$0xE0]  }
0x66: {  	v11 =	vld [tilespmem:s31+$0xF0]  }
0x67: {  	v12 =	vld [tilespmem:s31+$0x480]  }
0x68: {  	v13 =	vld [tilespmem:s31+$0x490]  }
0x69: {  	v14 =	vld [tilespmem:s31+$0x4A0]  }
0x6a: {  	v15 =	vld [tilespmem:s31+$0x4B0]  }
0x6b: {  	v16 =	vld [tilespmem:s31+$0x4C0]  }
0x6c: {  	v17 =	vld [tilespmem:s31+$0x4D0]  }
0x6d: {  	[tilespmem:s31+$0x64F0] =	vst.add.f32.msk $0xffff, v3  }
0x6e: {  	v3 =	vld [tilespmem:s31+$0x4E0]  }
0x6f: {  	[tilespmem:s31+$0x6080] =	vst.add.f32.msk $0xffff, v4  }
0x70: {  	[tilespmem:s31+$0x6090] =	vst.add.f32.msk $0xffff, v5  }
0x71: {  	[tilespmem:s31+$0x60A0] =	vst.add.f32.msk $0xffff, v6  }
0x72: {  	[tilespmem:s31+$0x60B0] =	vst.add.f32.msk $0xffff, v7  }
0x73: {  	[tilespmem:s31+$0x60C0] =	vst.add.f32.msk $0xffff, v8  }
0x74: {  	[tilespmem:s31+$0x60D0] =	vst.add.f32.msk $0xffff, v9  }
0x75: {  	[tilespmem:s31+$0x60E0] =	vst.add.f32.msk $0xffff, v10  }
0x76: {  	[tilespmem:s31+$0x60F0] =	vst.add.f32.msk $0xffff, v11  }
0x77: {  	[tilespmem:s31+$0x6480] =	vst.add.f32.msk $0xffff, v12  }
0x78: {  	[tilespmem:s31+$0x6490] =	vst.add.f32.msk $0xffff, v13  }
0x79: {  	[tilespmem:s31+$0x64A0] =	vst.add.f32.msk $0xffff, v14  }
0x7a: {  	[tilespmem:s31+$0x64B0] =	vst.add.f32.msk $0xffff, v15  }
0x7b: {  	s5 =	simm.s32 $0x100;
	s0 =	simm.s32 $0x80;
	[tilespmem:s31+$0x64C0] =	vst.add.f32.msk $0xffff, v16  }
0x7c: {  	s4 =	sand.u32 $0x7800, s5;
	s5 =	sand.u32 $0x380, s0;
	s2 =	simm.s32 $0x200;
	[tilespmem:s31+$0x64D0] =	vst.add.f32.msk $0xffff, v17  }
.LBB2_2:
0x7d: {  	p0 =	sne.s32 s2, $0x5F00;
	[tilespmem:s31+$0x64E0] =	vst.add.f32.msk $0xffff, v3;
	s31 =	sor.u32 s5, s4  }
0x7e: {  	v3 =	vld [tilespmem:s31+$0x4F0]  }
0x7f: {  	v4 =	vld [tilespmem:s31+$0x80]  }
0x80: {  	v5 =	vld [tilespmem:s31+$0x90]  }
0x81: {  	v6 =	vld [tilespmem:s31+$0xA0]  }
0x82: {  	v7 =	vld [tilespmem:s31+$0xB0]  }
0x83: {  	[tilespmem:s31+$0x64F0] =	vst.add.f32.msk $0xffff, v3  }
0x84: {  	v8 =	vld [tilespmem:s31+$0xC0]  }
0x85: {  	v9 =	vld [tilespmem:s31+$0xD0]  }
0x86: {  	v10 =	vld [tilespmem:s31+$0xE0]  }
0x87: {  	v11 =	vld [tilespmem:s31+$0xF0]  }
0x88: {  	v12 =	vld [tilespmem:s31+$0x480]  }
0x89: {  	v13 =	vld [tilespmem:s31+$0x490]  }
0x8a: {  	v14 =	vld [tilespmem:s31+$0x4A0]  }
0x8b: {  	v15 =	vld [tilespmem:s31+$0x4B0]  }
0x8c: {  	v16 =	vld [tilespmem:s31+$0x4C0]  }
0x8d: {  	v17 =	vld [tilespmem:s31+$0x4D0]  }
0x8e: {  	v3 =	vld [tilespmem:s31+$0x4E0]  }
0x8f: {  	[tilespmem:s31+$0x6080] =	vst.add.f32.msk $0xffff, v4  }
0x90: {  	[tilespmem:s31+$0x6090] =	vst.add.f32.msk $0xffff, v5  }
0x91: {  	[tilespmem:s31+$0x60A0] =	vst.add.f32.msk $0xffff, v6  }
0x92: {  	[tilespmem:s31+$0x60B0] =	vst.add.f32.msk $0xffff, v7  }
0x93: {  	[tilespmem:s31+$0x60C0] =	vst.add.f32.msk $0xffff, v8  }
0x94: {  	[tilespmem:s31+$0x60D0] =	vst.add.f32.msk $0xffff, v9  }
0x95: {  	[tilespmem:s31+$0x60E0] =	vst.add.f32.msk $0xffff, v10  }
0x96: {  	[tilespmem:s31+$0x60F0] =	vst.add.f32.msk $0xffff, v11  }
0x97: {  	[tilespmem:s31+$0x6480] =	vst.add.f32.msk $0xffff, v12  }
.Ltmp0:
0x98: {  	[tilespmem:s31+$0x6490] =	vst.add.f32.msk $0xffff, v13;
	(pc) =	sbr.rel @p0 .LBB2_2-.Ltmp0, $4  }
0x99: {  	[tilespmem:s31+$0x64A0] =	vst.add.f32.msk $0xffff, v14  }
0x9a: {  	[tilespmem:s31+$0x64B0] =	vst.add.f32.msk $0xffff, v15  }
0x9b: {  	s0 =	sadd.s32 $0x80, s0;
	[tilespmem:s31+$0x64C0] =	vst.add.f32.msk $0xffff, v16  }
0x9c: {  	s4 =	sand.u32 $0x7800, s2;
	s2 =	sadd.s32 $0x100, s2;
	s5 =	sand.u32 $0x380, s0;
	[tilespmem:s31+$0x64D0] =	vst.add.f32.msk $0xffff, v17  }
0x9d: {  	s0 =	sor.u32 s5, s4;
	[tilespmem:s31+$0x64E0] =	vst.add.f32.msk $0xffff, v3  }
0x9e: {  	v3 =	vld [tilespmem:s0+$0x4F0]  }
0x9f: {  	v4 =	vld [tilespmem:s0+$0x80]  }
0xa0: {  	v5 =	vld [tilespmem:s0+$0x90]  }
0xa1: {  	v6 =	vld [tilespmem:s0+$0xA0]  }
0xa2: {  	v7 =	vld [tilespmem:s0+$0xB0]  }
0xa3: {  	v8 =	vld [tilespmem:s0+$0xD0]  }
0xa4: {  	v9 =	vld [tilespmem:s0+$0xE0]  }
0xa5: {  	v10 =	vld [tilespmem:s0+$0xF0]  }
0xa6: {  	v11 =	vld [tilespmem:s0+$0x480]  }
0xa7: {  	v12 =	vld [tilespmem:s0+$0x490]  }
0xa8: {  	v13 =	vld [tilespmem:s0+$0x4A0]  }
0xa9: {  	v14 =	vld [tilespmem:s0+$0x4B0]  }
0xaa: {  	v15 =	vld [tilespmem:s0+$0x4C0]  }
0xab: {  	v16 =	vld [tilespmem:s0+$0x4D0]  }
0xac: {  	v17 =	vld [tilespmem:s0+$0x4E0]  }
0xad: {  	[tilespmem:s0+$0x64F0] =	vst.add.f32.msk $0xffff, v3  }
0xae: {  	v3 =	vld [tilespmem:s0+$0xC0]  }
0xaf: {  	[tilespmem:s0+$0x6080] =	vst.add.f32.msk $0xffff, v4  }
0xb0: {  	[tilespmem:s0+$0x6090] =	vst.add.f32.msk $0xffff, v5  }
0xb1: {  	[tilespmem:s0+$0x60A0] =	vst.add.f32.msk $0xffff, v6  }
0xb2: {  	[tilespmem:s0+$0x60B0] =	vst.add.f32.msk $0xffff, v7  }
0xb3: {  	[tilespmem:s0+$0x60D0] =	vst.add.f32.msk $0xffff, v8  }
0xb4: {  	[tilespmem:s0+$0x60E0] =	vst.add.f32.msk $0xffff, v9  }
0xb5: {  	[tilespmem:s0+$0x60F0] =	vst.add.f32.msk $0xffff, v10  }
0xb6: {  	[tilespmem:s0+$0x6480] =	vst.add.f32.msk $0xffff, v11  }
0xb7: {  	[tilespmem:s0+$0x6490] =	vst.add.f32.msk $0xffff, v12  }
0xb8: {  	[tilespmem:s0+$0x64A0] =	vst.add.f32.msk $0xffff, v13  }
0xb9: {  	[tilespmem:s0+$0x64B0] =	vst.add.f32.msk $0xffff, v14  }
0xba: {  	[tilespmem:s0+$0x64C0] =	vst.add.f32.msk $0xffff, v15  }
0xbb: {  	[tilespmem:s0+$0x64D0] =	vst.add.f32.msk $0xffff, v16  }
0xbc: {  	[tilespmem:s0+$0x64E0] =	vst.add.f32.msk $0xffff, v17  }
0xbd: {  	s31 =	simm.s32 $0x0;
	[tilespmem:s0+$0x60C0] =	vst.add.f32.msk $0xffff, v3  }
0xbe: {  	[hbm4b:s6+s31] =	stream.linear.scatter [tilespmem:s28], [sflag:$0x2], $0x6000, $0x38;
	[tilespmem:$0xC080] =	vst v63  }
0xbf: {  	_ =	swait.ge [sflag:s14], $0x6000  }
0xc0: {  	[sflag:s14] =	ssyncset.done $0x0  }
0xc1: {  	[sflag:s14] =	ssyncadd.s32 $0xFFFFA000  }
0xc2: {  	[tilespmem:s31], [sflag:$0x2] =	stream.linear.gather [hbm4b:s7+s31], $0x60, $0x38;
	[tilespmem:$0xC080] =	vst v63  }
0xc3: {  	_ =	swait.ge [sflag:s14], $0x60  }
0xc4: {  	[sflag:s14] =	ssyncset.done $0x0  }
0xc5: {  	[sflag:s14] =	ssyncadd.s32 $0xFFFFFFA0  }
0xc6: {  	v3 =	vld [tilespmem:$0x0];
	_ =	sdelay $0x4  }
0xc7: {  	v4 =	vshll.u32 v3, $0x1  }
0xc8: {  	v3 =	vand.u32 $0x7, v3;
	v4 =	vand.u32 $0xFFFFFFF0, v4  }
0xc9: {  	v3 =	vor.u32 v3, v4  }
0xca: {  	v4 =	vperm.xlane v3, v0;
	_ =	sdelay $0x1  }
0xcb: {  	v3 =	vperm.xlane v3, v2;
	v4 =	vadd.s32 v1, v4;
	_ =	sdelay $0x1  }
0xcc: {  	v3 =	vadd.s32 v1, v3;
	_ =	sdelay $0x2  }
0xcd: {  	[tilespmem:s15], [sflag:$0x1] =	stream.indirect_vreg.gather [hbm4b:s1+s31], $0x80, v4, vm0, $0xb8;
	[tilespmem:$0xC080] =	vst v63  }
0xce: {  	_ = 	snop  }
0xcf: {  	[tilespmem:s16], [sflag:$0x1] =	stream.indirect_vreg.gather [hbm4b:s1+s31], $0x80, v3, vm0, $0xb8;
	[tilespmem:$0xC080] =	vst v63  }
0xd0: {  	v3 =	vld [tilespmem:$0x10];
	_ =	sdelay $0x4  }
0xd1: {  	v4 =	vshll.u32 v3, $0x1  }
0xd2: {  	v3 =	vand.u32 $0x7, v3;
	v4 =	vand.u32 $0xFFFFFFF0, v4  }
0xd3: {  	v3 =	vor.u32 v3, v4  }
0xd4: {  	v4 =	vperm.xlane v3, v0;
	_ =	sdelay $0x1  }
0xd5: {  	v3 =	vperm.xlane v3, v2;
	v4 =	vadd.s32 v1, v4;
	_ =	sdelay $0x1  }
0xd6: {  	v3 =	vadd.s32 v1, v3;
	_ =	sdelay $0x2  }
0xd7: {  	[tilespmem:s17], [sflag:$0x1] =	stream.indirect_vreg.gather [hbm4b:s1+s31], $0x80, v4, vm0, $0xb8;
	[tilespmem:$0xC080] =	vst v63  }
0xd8: {  	_ = 	snop  }
0xd9: {  	[tilespmem:s18], [sflag:$0x1] =	stream.indirect_vreg.gather [hbm4b:s1+s31], $0x80, v3, vm0, $0xb8;
	[tilespmem:$0xC080] =	vst v63  }
0xda: {  	v3 =	vld [tilespmem:$0x20];
	_ =	sdelay $0x4  }
0xdb: {  	v4 =	vshll.u32 v3, $0x1  }
0xdc: {  	v3 =	vand.u32 $0x7, v3;
	v4 =	vand.u32 $0xFFFFFFF0, v4  }
0xdd: {  	v3 =	vor.u32 v3, v4  }
0xde: {  	v4 =	vperm.xlane v3, v0;
	_ =	sdelay $0x1  }
0xdf: {  	v3 =	vperm.xlane v3, v2;
	v4 =	vadd.s32 v1, v4;
	_ =	sdelay $0x1  }
0xe0: {  	v3 =	vadd.s32 v1, v3;
	_ =	sdelay $0x2  }
0xe1: {  	[tilespmem:s19], [sflag:$0x1] =	stream.indirect_vreg.gather [hbm4b:s1+s31], $0x80, v4, vm0, $0xb8;
	[tilespmem:$0xC080] =	vst v63  }
0xe2: {  	_ = 	snop  }
0xe3: {  	[tilespmem:s20], [sflag:$0x1] =	stream.indirect_vreg.gather [hbm4b:s1+s31], $0x80, v3, vm0, $0xb8;
	[tilespmem:$0xC080] =	vst v63  }
0xe4: {  	v3 =	vld [tilespmem:$0x30];
	_ =	sdelay $0x4  }
0xe5: {  	v4 =	vshll.u32 v3, $0x1  }
0xe6: {  	v3 =	vand.u32 $0x7, v3;
	v4 =	vand.u32 $0xFFFFFFF0, v4  }
0xe7: {  	v3 =	vor.u32 v3, v4  }
0xe8: {  	v4 =	vperm.xlane v3, v0;
	_ =	sdelay $0x1  }
0xe9: {  	v3 =	vperm.xlane v3, v2;
	v4 =	vadd.s32 v1, v4;
	_ =	sdelay $0x1  }
0xea: {  	v3 =	vadd.s32 v1, v3;
	_ =	sdelay $0x2  }
0xeb: {  	[tilespmem:s21], [sflag:$0x1] =	stream.indirect_vreg.gather [hbm4b:s1+s31], $0x80, v4, vm0, $0xb8;
	[tilespmem:$0xC080] =	vst v63  }
0xec: {  	_ = 	snop  }
0xed: {  	[tilespmem:s22], [sflag:$0x1] =	stream.indirect_vreg.gather [hbm4b:s1+s31], $0x80, v3, vm0, $0xb8;
	[tilespmem:$0xC080] =	vst v63  }
0xee: {  	v3 =	vld [tilespmem:$0x40];
	_ =	sdelay $0x4  }
0xef: {  	v4 =	vshll.u32 v3, $0x1  }
0xf0: {  	v3 =	vand.u32 $0x7, v3;
	v4 =	vand.u32 $0xFFFFFFF0, v4  }
0xf1: {  	v3 =	vor.u32 v3, v4  }
0xf2: {  	v4 =	vperm.xlane v3, v0;
	_ =	sdelay $0x1  }
0xf3: {  	v3 =	vperm.xlane v3, v2;
	v4 =	vadd.s32 v1, v4;
	_ =	sdelay $0x1  }
0xf4: {  	v3 =	vadd.s32 v1, v3;
	_ =	sdelay $0x2  }
0xf5: {  	[tilespmem:s23], [sflag:$0x1] =	stream.indirect_vreg.gather [hbm4b:s1+s31], $0x80, v4, vm0, $0xb8;
	[tilespmem:$0xC080] =	vst v63  }
0xf6: {  	_ = 	snop  }
0xf7: {  	[tilespmem:s24], [sflag:$0x1] =	stream.indirect_vreg.gather [hbm4b:s1+s31], $0x80, v3, vm0, $0xb8;
	[tilespmem:$0xC080] =	vst v63  }
0xf8: {  	v3 =	vld [tilespmem:$0x50];
	_ =	sdelay $0x4  }
0xf9: {  	v4 =	vshll.u32 v3, $0x1  }
0xfa: {  	v3 =	vand.u32 $0x7, v3;
	v4 =	vand.u32 $0xFFFFFFF0, v4  }
0xfb: {  	v3 =	vor.u32 v3, v4  }
0xfc: {  	v4 =	vperm.xlane v3, v0;
	_ =	sdelay $0x1  }
0xfd: {  	v3 =	vperm.xlane v3, v2;
	v4 =	vadd.s32 v1, v4;
	_ =	sdelay $0x1  }
0xfe: {  	v3 =	vadd.s32 v1, v3;
	_ =	sdelay $0x2  }
0xff: {  	[tilespmem:s25], [sflag:$0x1] =	stream.indirect_vreg.gather [hbm4b:s1+s31], $0x80, v4, vm0, $0xb8;
	[tilespmem:$0xC080] =	vst v63  }
0x100: {  	_ = 	snop  }
0x101: {  	[tilespmem:s26], [sflag:$0x1] =	stream.indirect_vreg.gather [hbm4b:s1+s31], $0x80, v3, vm0, $0xb8;
	[tilespmem:$0xC080] =	vst v63  }
0x102: {  	_ = 	snop  }
0x103: {  	[tilespmem:s28], [sflag:$0x2] =	stream.linear.gather [hbm4b:s8+s31], $0x6000, $0x38;
	[tilespmem:$0xC080] =	vst v63  }
0x104: {  	_ =	swait.ge [sflag:s14], $0x6000  }
0x105: {  	[sflag:s14] =	ssyncset.done $0x0  }
0x106: {  	[sflag:s14] =	ssyncadd.s32 $0xFFFFA000  }
0x107: {  	_ =	swait.ge [sflag:s29], $0x6000  }
0x108: {  	s4 =	sand.u32 $0x7800, s31;
	s2 =	sand.u32 $0x380, s31;
	[sflag:s29] =	ssyncset.done $0x0  }
0x109: {  	s31 =	sor.u32 s2, s4;
	[sflag:s29] =	ssyncadd.s32 $0xFFFFA000  }
0x10a: {  	v3 =	vld [tilespmem:s31+$0x4F0]  }
0x10b: {  	v4 =	vld [tilespmem:s31+$0x80]  }
0x10c: {  	v5 =	vld [tilespmem:s31+$0x90]  }
0x10d: {  	v52 =	vld [tilespmem:s31+$0xA0]  }
0x10e: {  	v53 =	vld [tilespmem:s31+$0xB0]  }
0x10f: {  	v54 =	vld [tilespmem:s31+$0xC0]  }
0x110: {  	v55 =	vld [tilespmem:s31+$0xD0]  }
0x111: {  	v56 =	vld [tilespmem:s31+$0xE0]  }
0x112: {  	v57 =	vld [tilespmem:s31+$0xF0]  }
0x113: {  	v58 =	vld [tilespmem:s31+$0x480]  }
0x114: {  	v59 =	vld [tilespmem:s31+$0x490]  }
0x115: {  	v60 =	vld [tilespmem:s31+$0x4A0]  }
0x116: {  	v61 =	vld [tilespmem:s31+$0x4B0]  }
0x117: {  	v62 =	vld [tilespmem:s31+$0x4C0]  }
0x118: {  	v63 =	vld [tilespmem:s31+$0x4D0]  }
0x119: {  	[tilespmem:s31+$0x64F0] =	vst.add.f32.msk $0xffff, v3  }
0x11a: {  	v3 =	vld [tilespmem:s31+$0x4E0]  }
0x11b: {  	[tilespmem:s31+$0x6080] =	vst.add.f32.msk $0xffff, v4  }
0x11c: {  	[tilespmem:s31+$0x6090] =	vst.add.f32.msk $0xffff, v5  }
0x11d: {  	[tilespmem:s31+$0x60A0] =	vst.add.f32.msk $0xffff, v52  }
0x11e: {  	[tilespmem:s31+$0x60B0] =	vst.add.f32.msk $0xffff, v53  }
0x11f: {  	[tilespmem:s31+$0x60C0] =	vst.add.f32.msk $0xffff, v54  }
0x120: {  	[tilespmem:s31+$0x60D0] =	vst.add.f32.msk $0xffff, v55  }
0x121: {  	[tilespmem:s31+$0x60E0] =	vst.add.f32.msk $0xffff, v56  }
0x122: {  	[tilespmem:s31+$0x60F0] =	vst.add.f32.msk $0xffff, v57  }
0x123: {  	[tilespmem:s31+$0x6480] =	vst.add.f32.msk $0xffff, v58  }
0x124: {  	[tilespmem:s31+$0x6490] =	vst.add.f32.msk $0xffff, v59  }
0x125: {  	[tilespmem:s31+$0x64A0] =	vst.add.f32.msk $0xffff, v60  }
0x126: {  	[tilespmem:s31+$0x64B0] =	vst.add.f32.msk $0xffff, v61  }
0x127: {  	s5 =	simm.s32 $0x100;
	s0 =	simm.s32 $0x80;
	[tilespmem:s31+$0x64C0] =	vst.add.f32.msk $0xffff, v62  }
0x128: {  	s4 =	sand.u32 $0x7800, s5;
	s5 =	sand.u32 $0x380, s0;
	s2 =	simm.s32 $0x200;
	[tilespmem:s31+$0x64D0] =	vst.add.f32.msk $0xffff, v63  }
.LBB2_4:
0x129: {  	p0 =	sne.s32 s2, $0x5F00;
	[tilespmem:s31+$0x64E0] =	vst.add.f32.msk $0xffff, v3;
	s31 =	sor.u32 s5, s4  }
0x12a: {  	v3 =	vld [tilespmem:s31+$0x4F0]  }
0x12b: {  	v4 =	vld [tilespmem:s31+$0x80]  }
0x12c: {  	v5 =	vld [tilespmem:s31+$0x90]  }
0x12d: {  	v6 =	vld [tilespmem:s31+$0xA0]  }
0x12e: {  	v7 =	vld [tilespmem:s31+$0xB0]  }
0x12f: {  	[tilespmem:s31+$0x64F0] =	vst.add.f32.msk $0xffff, v3  }
0x130: {  	v8 =	vld [tilespmem:s31+$0xC0]  }
0x131: {  	v9 =	vld [tilespmem:s31+$0xD0]  }
0x132: {  	v10 =	vld [tilespmem:s31+$0xE0]  }
0x133: {  	v11 =	vld [tilespmem:s31+$0xF0]  }
0x134: {  	v12 =	vld [tilespmem:s31+$0x480]  }
0x135: {  	v13 =	vld [tilespmem:s31+$0x490]  }
0x136: {  	v14 =	vld [tilespmem:s31+$0x4A0]  }
0x137: {  	v15 =	vld [tilespmem:s31+$0x4B0]  }
0x138: {  	v16 =	vld [tilespmem:s31+$0x4C0]  }
0x139: {  	v17 =	vld [tilespmem:s31+$0x4D0]  }
0x13a: {  	v3 =	vld [tilespmem:s31+$0x4E0]  }
0x13b: {  	[tilespmem:s31+$0x6080] =	vst.add.f32.msk $0xffff, v4  }
0x13c: {  	[tilespmem:s31+$0x6090] =	vst.add.f32.msk $0xffff, v5  }
0x13d: {  	[tilespmem:s31+$0x60A0] =	vst.add.f32.msk $0xffff, v6  }
0x13e: {  	[tilespmem:s31+$0x60B0] =	vst.add.f32.msk $0xffff, v7  }
0x13f: {  	[tilespmem:s31+$0x60C0] =	vst.add.f32.msk $0xffff, v8  }
0x140: {  	[tilespmem:s31+$0x60D0] =	vst.add.f32.msk $0xffff, v9  }
0x141: {  	[tilespmem:s31+$0x60E0] =	vst.add.f32.msk $0xffff, v10  }
0x142: {  	[tilespmem:s31+$0x60F0] =	vst.add.f32.msk $0xffff, v11  }
0x143: {  	[tilespmem:s31+$0x6480] =	vst.add.f32.msk $0xffff, v12  }
.Ltmp1:
0x144: {  	[tilespmem:s31+$0x6490] =	vst.add.f32.msk $0xffff, v13;
	(pc) =	sbr.rel @p0 .LBB2_4-.Ltmp1, $4  }
0x145: {  	[tilespmem:s31+$0x64A0] =	vst.add.f32.msk $0xffff, v14  }
0x146: {  	[tilespmem:s31+$0x64B0] =	vst.add.f32.msk $0xffff, v15  }
0x147: {  	s0 =	sadd.s32 $0x80, s0;
	[tilespmem:s31+$0x64C0] =	vst.add.f32.msk $0xffff, v16  }
0x148: {  	s4 =	sand.u32 $0x7800, s2;
	s2 =	sadd.s32 $0x100, s2;
	s5 =	sand.u32 $0x380, s0;
	[tilespmem:s31+$0x64D0] =	vst.add.f32.msk $0xffff, v17  }
0x149: {  	s0 =	sor.u32 s5, s4;
	[tilespmem:s31+$0x64E0] =	vst.add.f32.msk $0xffff, v3  }
0x14a: {  	v3 =	vld [tilespmem:s0+$0x4F0]  }
0x14b: {  	v4 =	vld [tilespmem:s0+$0x80]  }
0x14c: {  	v5 =	vld [tilespmem:s0+$0x90]  }
0x14d: {  	v6 =	vld [tilespmem:s0+$0xA0]  }
0x14e: {  	v7 =	vld [tilespmem:s0+$0xB0]  }
0x14f: {  	v8 =	vld [tilespmem:s0+$0xD0]  }
0x150: {  	v9 =	vld [tilespmem:s0+$0xE0]  }
0x151: {  	v10 =	vld [tilespmem:s0+$0xF0]  }
0x152: {  	v11 =	vld [tilespmem:s0+$0x480]  }
0x153: {  	v12 =	vld [tilespmem:s0+$0x490]  }
0x154: {  	v13 =	vld [tilespmem:s0+$0x4A0]  }
0x155: {  	v14 =	vld [tilespmem:s0+$0x4B0]  }
0x156: {  	v15 =	vld [tilespmem:s0+$0x4C0]  }
0x157: {  	v16 =	vld [tilespmem:s0+$0x4D0]  }
0x158: {  	v17 =	vld [tilespmem:s0+$0x4E0]  }
0x159: {  	[tilespmem:s0+$0x64F0] =	vst.add.f32.msk $0xffff, v3  }
0x15a: {  	v3 =	vld [tilespmem:s0+$0xC0]  }
0x15b: {  	[tilespmem:s0+$0x6080] =	vst.add.f32.msk $0xffff, v4  }
0x15c: {  	[tilespmem:s0+$0x6090] =	vst.add.f32.msk $0xffff, v5  }
0x15d: {  	[tilespmem:s0+$0x60A0] =	vst.add.f32.msk $0xffff, v6  }
0x15e: {  	[tilespmem:s0+$0x60B0] =	vst.add.f32.msk $0xffff, v7  }
0x15f: {  	[tilespmem:s0+$0x60D0] =	vst.add.f32.msk $0xffff, v8  }
0x160: {  	[tilespmem:s0+$0x60E0] =	vst.add.f32.msk $0xffff, v9  }
0x161: {  	[tilespmem:s0+$0x60F0] =	vst.add.f32.msk $0xffff, v10  }
0x162: {  	[tilespmem:s0+$0x6480] =	vst.add.f32.msk $0xffff, v11  }
0x163: {  	[tilespmem:s0+$0x6490] =	vst.add.f32.msk $0xffff, v12  }
0x164: {  	[tilespmem:s0+$0x64A0] =	vst.add.f32.msk $0xffff, v13  }
0x165: {  	[tilespmem:s0+$0x64B0] =	vst.add.f32.msk $0xffff, v14  }
0x166: {  	[tilespmem:s0+$0x64C0] =	vst.add.f32.msk $0xffff, v15  }
0x167: {  	[tilespmem:s0+$0x64D0] =	vst.add.f32.msk $0xffff, v16  }
0x168: {  	[tilespmem:s0+$0x64E0] =	vst.add.f32.msk $0xffff, v17  }
0x169: {  	s31 =	simm.s32 $0x0;
	[tilespmem:s0+$0x60C0] =	vst.add.f32.msk $0xffff, v3  }
0x16a: {  	[hbm4b:s9+s31] =	stream.linear.scatter [tilespmem:s28], [sflag:$0x2], $0x6000, $0x38;
	[tilespmem:$0xC080] =	vst v63  }
0x16b: {  	_ =	swait.ge [sflag:s14], $0x6000  }
0x16c: {  	[sflag:s14] =	ssyncset.done $0x0  }
0x16d: {  	[sflag:s14] =	ssyncadd.s32 $0xFFFFA000  }
0x16e: {  	[tilespmem:s31], [sflag:$0x2] =	stream.linear.gather [hbm4b:s10+s31], $0x60, $0x38;
	[tilespmem:$0xC080] =	vst v63  }
0x16f: {  	_ =	swait.ge [sflag:s14], $0x60  }
0x170: {  	[sflag:s14] =	ssyncset.done $0x0  }
0x171: {  	[sflag:s14] =	ssyncadd.s32 $0xFFFFFFA0  }
0x172: {  	v3 =	vld [tilespmem:$0x0];
	_ =	sdelay $0x4  }
0x173: {  	v4 =	vshll.u32 v3, $0x1  }
0x174: {  	v3 =	vand.u32 $0x7, v3;
	v4 =	vand.u32 $0xFFFFFFF0, v4  }
0x175: {  	v3 =	vor.u32 v3, v4  }
0x176: {  	v4 =	vperm.xlane v3, v0;
	_ =	sdelay $0x1  }
0x177: {  	v3 =	vperm.xlane v3, v2;
	v4 =	vadd.s32 v1, v4;
	_ =	sdelay $0x1  }
0x178: {  	v3 =	vadd.s32 v1, v3;
	_ =	sdelay $0x2  }
0x179: {  	[tilespmem:s15], [sflag:$0x1] =	stream.indirect_vreg.gather [hbm4b:s1+s31], $0x80, v4, vm0, $0xb8;
	[tilespmem:$0xC080] =	vst v63  }
0x17a: {  	_ = 	snop  }
0x17b: {  	[tilespmem:s16], [sflag:$0x1] =	stream.indirect_vreg.gather [hbm4b:s1+s31], $0x80, v3, vm0, $0xb8;
	[tilespmem:$0xC080] =	vst v63  }
0x17c: {  	v3 =	vld [tilespmem:$0x10];
	_ =	sdelay $0x4  }
0x17d: {  	v4 =	vshll.u32 v3, $0x1  }
0x17e: {  	v3 =	vand.u32 $0x7, v3;
	v4 =	vand.u32 $0xFFFFFFF0, v4  }
0x17f: {  	v3 =	vor.u32 v3, v4  }
0x180: {  	v4 =	vperm.xlane v3, v0;
	_ =	sdelay $0x1  }
0x181: {  	v3 =	vperm.xlane v3, v2;
	v4 =	vadd.s32 v1, v4;
	_ =	sdelay $0x1  }
0x182: {  	v3 =	vadd.s32 v1, v3;
	_ =	sdelay $0x2  }
0x183: {  	[tilespmem:s17], [sflag:$0x1] =	stream.indirect_vreg.gather [hbm4b:s1+s31], $0x80, v4, vm0, $0xb8;
	[tilespmem:$0xC080] =	vst v63  }
0x184: {  	_ = 	snop  }
0x185: {  	[tilespmem:s18], [sflag:$0x1] =	stream.indirect_vreg.gather [hbm4b:s1+s31], $0x80, v3, vm0, $0xb8;
	[tilespmem:$0xC080] =	vst v63  }
0x186: {  	v3 =	vld [tilespmem:$0x20];
	_ =	sdelay $0x4  }
0x187: {  	v4 =	vshll.u32 v3, $0x1  }
0x188: {  	v3 =	vand.u32 $0x7, v3;
	v4 =	vand.u32 $0xFFFFFFF0, v4  }
0x189: {  	v3 =	vor.u32 v3, v4  }
0x18a: {  	v4 =	vperm.xlane v3, v0;
	_ =	sdelay $0x1  }
0x18b: {  	v3 =	vperm.xlane v3, v2;
	v4 =	vadd.s32 v1, v4;
	_ =	sdelay $0x1  }
0x18c: {  	v3 =	vadd.s32 v1, v3;
	_ =	sdelay $0x2  }
0x18d: {  	[tilespmem:s19], [sflag:$0x1] =	stream.indirect_vreg.gather [hbm4b:s1+s31], $0x80, v4, vm0, $0xb8;
	[tilespmem:$0xC080] =	vst v63  }
0x18e: {  	_ = 	snop  }
0x18f: {  	[tilespmem:s20], [sflag:$0x1] =	stream.indirect_vreg.gather [hbm4b:s1+s31], $0x80, v3, vm0, $0xb8;
	[tilespmem:$0xC080] =	vst v63  }
0x190: {  	v3 =	vld [tilespmem:$0x30];
	_ =	sdelay $0x4  }
0x191: {  	v4 =	vshll.u32 v3, $0x1  }
0x192: {  	v3 =	vand.u32 $0x7, v3;
	v4 =	vand.u32 $0xFFFFFFF0, v4  }
0x193: {  	v3 =	vor.u32 v3, v4  }
0x194: {  	v4 =	vperm.xlane v3, v0;
	_ =	sdelay $0x1  }
0x195: {  	v3 =	vperm.xlane v3, v2;
	v4 =	vadd.s32 v1, v4;
	_ =	sdelay $0x1  }
0x196: {  	v3 =	vadd.s32 v1, v3;
	_ =	sdelay $0x2  }
0x197: {  	[tilespmem:s21], [sflag:$0x1] =	stream.indirect_vreg.gather [hbm4b:s1+s31], $0x80, v4, vm0, $0xb8;
	[tilespmem:$0xC080] =	vst v63  }
0x198: {  	_ = 	snop  }
0x199: {  	[tilespmem:s22], [sflag:$0x1] =	stream.indirect_vreg.gather [hbm4b:s1+s31], $0x80, v3, vm0, $0xb8;
	[tilespmem:$0xC080] =	vst v63  }
0x19a: {  	v3 =	vld [tilespmem:$0x40];
	_ =	sdelay $0x4  }
0x19b: {  	v4 =	vshll.u32 v3, $0x1  }
0x19c: {  	v3 =	vand.u32 $0x7, v3;
	v4 =	vand.u32 $0xFFFFFFF0, v4  }
0x19d: {  	v3 =	vor.u32 v3, v4  }
0x19e: {  	v4 =	vperm.xlane v3, v0;
	_ =	sdelay $0x1  }
0x19f: {  	v3 =	vperm.xlane v3, v2;
	v4 =	vadd.s32 v1, v4;
	_ =	sdelay $0x1  }
0x1a0: {  	v3 =	vadd.s32 v1, v3;
	_ =	sdelay $0x2  }
0x1a1: {  	[tilespmem:s23], [sflag:$0x1] =	stream.indirect_vreg.gather [hbm4b:s1+s31], $0x80, v4, vm0, $0xb8;
	[tilespmem:$0xC080] =	vst v63  }
0x1a2: {  	_ = 	snop  }
0x1a3: {  	[tilespmem:s24], [sflag:$0x1] =	stream.indirect_vreg.gather [hbm4b:s1+s31], $0x80, v3, vm0, $0xb8;
	[tilespmem:$0xC080] =	vst v63  }
0x1a4: {  	v3 =	vld [tilespmem:$0x50];
	_ =	sdelay $0x4  }
0x1a5: {  	v4 =	vshll.u32 v3, $0x1  }
0x1a6: {  	v3 =	vand.u32 $0x7, v3;
	v4 =	vand.u32 $0xFFFFFFF0, v4  }
0x1a7: {  	v3 =	vor.u32 v3, v4  }
0x1a8: {  	v4 =	vperm.xlane v3, v0;
	_ =	sdelay $0x1  }
0x1a9: {  	v3 =	vperm.xlane v3, v2;
	v4 =	vadd.s32 v1, v4;
	_ =	sdelay $0x1  }
0x1aa: {  	v3 =	vadd.s32 v1, v3;
	_ =	sdelay $0x2  }
0x1ab: {  	[tilespmem:s25], [sflag:$0x1] =	stream.indirect_vreg.gather [hbm4b:s1+s31], $0x80, v4, vm0, $0xb8;
	[tilespmem:$0xC080] =	vst v63  }
0x1ac: {  	_ = 	snop  }
0x1ad: {  	[tilespmem:s26], [sflag:$0x1] =	stream.indirect_vreg.gather [hbm4b:s1+s31], $0x80, v3, vm0, $0xb8;
	[tilespmem:$0xC080] =	vst v63  }
0x1ae: {  	_ = 	snop  }
0x1af: {  	[tilespmem:s28], [sflag:$0x2] =	stream.linear.gather [hbm4b:s11+s31], $0x6000, $0x38;
	[tilespmem:$0xC080] =	vst v63  }
0x1b0: {  	_ =	swait.ge [sflag:s14], $0x6000  }
0x1b1: {  	[sflag:s14] =	ssyncset.done $0x0  }
0x1b2: {  	[sflag:s14] =	ssyncadd.s32 $0xFFFFA000  }
0x1b3: {  	_ =	swait.ge [sflag:s29], $0x6000  }
0x1b4: {  	s4 =	sand.u32 $0x7800, s31;
	s2 =	sand.u32 $0x380, s31;
	[sflag:s29] =	ssyncset.done $0x0  }
0x1b5: {  	s31 =	sor.u32 s2, s4;
	[sflag:s29] =	ssyncadd.s32 $0xFFFFA000  }
0x1b6: {  	v3 =	vld [tilespmem:s31+$0x4F0]  }
0x1b7: {  	v4 =	vld [tilespmem:s31+$0x80]  }
0x1b8: {  	v5 =	vld [tilespmem:s31+$0x90]  }
0x1b9: {  	v52 =	vld [tilespmem:s31+$0xA0]  }
0x1ba: {  	v53 =	vld [tilespmem:s31+$0xB0]  }
0x1bb: {  	v54 =	vld [tilespmem:s31+$0xC0]  }
0x1bc: {  	v55 =	vld [tilespmem:s31+$0xD0]  }
0x1bd: {  	v56 =	vld [tilespmem:s31+$0xE0]  }
0x1be: {  	v57 =	vld [tilespmem:s31+$0xF0]  }
0x1bf: {  	v58 =	vld [tilespmem:s31+$0x480]  }
0x1c0: {  	v59 =	vld [tilespmem:s31+$0x490]  }
0x1c1: {  	v60 =	vld [tilespmem:s31+$0x4A0]  }
0x1c2: {  	v61 =	vld [tilespmem:s31+$0x4B0]  }
0x1c3: {  	v62 =	vld [tilespmem:s31+$0x4C0]  }
0x1c4: {  	v63 =	vld [tilespmem:s31+$0x4D0]  }
0x1c5: {  	[tilespmem:s31+$0x64F0] =	vst.add.f32.msk $0xffff, v3  }
0x1c6: {  	v3 =	vld [tilespmem:s31+$0x4E0]  }
0x1c7: {  	[tilespmem:s31+$0x6080] =	vst.add.f32.msk $0xffff, v4  }
0x1c8: {  	[tilespmem:s31+$0x6090] =	vst.add.f32.msk $0xffff, v5  }
0x1c9: {  	[tilespmem:s31+$0x60A0] =	vst.add.f32.msk $0xffff, v52  }
0x1ca: {  	[tilespmem:s31+$0x60B0] =	vst.add.f32.msk $0xffff, v53  }
0x1cb: {  	[tilespmem:s31+$0x60C0] =	vst.add.f32.msk $0xffff, v54  }
0x1cc: {  	[tilespmem:s31+$0x60D0] =	vst.add.f32.msk $0xffff, v55  }
0x1cd: {  	[tilespmem:s31+$0x60E0] =	vst.add.f32.msk $0xffff, v56  }
0x1ce: {  	[tilespmem:s31+$0x60F0] =	vst.add.f32.msk $0xffff, v57  }
0x1cf: {  	[tilespmem:s31+$0x6480] =	vst.add.f32.msk $0xffff, v58  }
0x1d0: {  	[tilespmem:s31+$0x6490] =	vst.add.f32.msk $0xffff, v59  }
0x1d1: {  	[tilespmem:s31+$0x64A0] =	vst.add.f32.msk $0xffff, v60  }
0x1d2: {  	[tilespmem:s31+$0x64B0] =	vst.add.f32.msk $0xffff, v61  }
0x1d3: {  	s5 =	simm.s32 $0x100;
	s0 =	simm.s32 $0x80;
	[tilespmem:s31+$0x64C0] =	vst.add.f32.msk $0xffff, v62  }
0x1d4: {  	s4 =	sand.u32 $0x7800, s5;
	s5 =	sand.u32 $0x380, s0;
	s2 =	simm.s32 $0x200;
	[tilespmem:s31+$0x64D0] =	vst.add.f32.msk $0xffff, v63  }
.LBB2_6:
0x1d5: {  	p0 =	sne.s32 s2, $0x5F00;
	[tilespmem:s31+$0x64E0] =	vst.add.f32.msk $0xffff, v3;
	s31 =	sor.u32 s5, s4  }
0x1d6: {  	v3 =	vld [tilespmem:s31+$0x4F0]  }
0x1d7: {  	v4 =	vld [tilespmem:s31+$0x80]  }
0x1d8: {  	v5 =	vld [tilespmem:s31+$0x90]  }
0x1d9: {  	v6 =	vld [tilespmem:s31+$0xA0]  }
0x1da: {  	v7 =	vld [tilespmem:s31+$0xB0]  }
0x1db: {  	[tilespmem:s31+$0x64F0] =	vst.add.f32.msk $0xffff, v3  }
0x1dc: {  	v8 =	vld [tilespmem:s31+$0xC0]  }
0x1dd: {  	v9 =	vld [tilespmem:s31+$0xD0]  }
0x1de: {  	v10 =	vld [tilespmem:s31+$0xE0]  }
0x1df: {  	v11 =	vld [tilespmem:s31+$0xF0]  }
0x1e0: {  	v12 =	vld [tilespmem:s31+$0x480]  }
0x1e1: {  	v13 =	vld [tilespmem:s31+$0x490]  }
0x1e2: {  	v14 =	vld [tilespmem:s31+$0x4A0]  }
0x1e3: {  	v15 =	vld [tilespmem:s31+$0x4B0]  }
0x1e4: {  	v16 =	vld [tilespmem:s31+$0x4C0]  }
0x1e5: {  	v17 =	vld [tilespmem:s31+$0x4D0]  }
0x1e6: {  	v3 =	vld [tilespmem:s31+$0x4E0]  }
0x1e7: {  	[tilespmem:s31+$0x6080] =	vst.add.f32.msk $0xffff, v4  }
0x1e8: {  	[tilespmem:s31+$0x6090] =	vst.add.f32.msk $0xffff, v5  }
0x1e9: {  	[tilespmem:s31+$0x60A0] =	vst.add.f32.msk $0xffff, v6  }
0x1ea: {  	[tilespmem:s31+$0x60B0] =	vst.add.f32.msk $0xffff, v7  }
0x1eb: {  	[tilespmem:s31+$0x60C0] =	vst.add.f32.msk $0xffff, v8  }
0x1ec: {  	[tilespmem:s31+$0x60D0] =	vst.add.f32.msk $0xffff, v9  }
0x1ed: {  	[tilespmem:s31+$0x60E0] =	vst.add.f32.msk $0xffff, v10  }
0x1ee: {  	[tilespmem:s31+$0x60F0] =	vst.add.f32.msk $0xffff, v11  }
0x1ef: {  	[tilespmem:s31+$0x6480] =	vst.add.f32.msk $0xffff, v12  }
.Ltmp2:
0x1f0: {  	[tilespmem:s31+$0x6490] =	vst.add.f32.msk $0xffff, v13;
	(pc) =	sbr.rel @p0 .LBB2_6-.Ltmp2, $4  }
0x1f1: {  	[tilespmem:s31+$0x64A0] =	vst.add.f32.msk $0xffff, v14  }
0x1f2: {  	[tilespmem:s31+$0x64B0] =	vst.add.f32.msk $0xffff, v15  }
0x1f3: {  	s0 =	sadd.s32 $0x80, s0;
	[tilespmem:s31+$0x64C0] =	vst.add.f32.msk $0xffff, v16  }
0x1f4: {  	s4 =	sand.u32 $0x7800, s2;
	s2 =	sadd.s32 $0x100, s2;
	s5 =	sand.u32 $0x380, s0;
	[tilespmem:s31+$0x64D0] =	vst.add.f32.msk $0xffff, v17  }
0x1f5: {  	s0 =	sor.u32 s5, s4;
	[tilespmem:s31+$0x64E0] =	vst.add.f32.msk $0xffff, v3  }
0x1f6: {  	v3 =	vld [tilespmem:s0+$0x4F0]  }
0x1f7: {  	v4 =	vld [tilespmem:s0+$0x80]  }
0x1f8: {  	v5 =	vld [tilespmem:s0+$0x90]  }
0x1f9: {  	v6 =	vld [tilespmem:s0+$0xA0]  }
0x1fa: {  	v7 =	vld [tilespmem:s0+$0xB0]  }
0x1fb: {  	v8 =	vld [tilespmem:s0+$0xD0]  }
0x1fc: {  	v9 =	vld [tilespmem:s0+$0xE0]  }
0x1fd: {  	v10 =	vld [tilespmem:s0+$0xF0]  }
0x1fe: {  	v11 =	vld [tilespmem:s0+$0x480]  }
0x1ff: {  	v12 =	vld [tilespmem:s0+$0x490]  }
0x200: {  	v13 =	vld [tilespmem:s0+$0x4A0]  }
0x201: {  	v14 =	vld [tilespmem:s0+$0x4B0]  }
0x202: {  	v15 =	vld [tilespmem:s0+$0x4C0]  }
0x203: {  	v16 =	vld [tilespmem:s0+$0x4D0]  }
0x204: {  	v17 =	vld [tilespmem:s0+$0x4E0]  }
0x205: {  	[tilespmem:s0+$0x64F0] =	vst.add.f32.msk $0xffff, v3  }
0x206: {  	v3 =	vld [tilespmem:s0+$0xC0]  }
0x207: {  	[tilespmem:s0+$0x6080] =	vst.add.f32.msk $0xffff, v4  }
0x208: {  	[tilespmem:s0+$0x6090] =	vst.add.f32.msk $0xffff, v5  }
0x209: {  	[tilespmem:s0+$0x60A0] =	vst.add.f32.msk $0xffff, v6  }
0x20a: {  	[tilespmem:s0+$0x60B0] =	vst.add.f32.msk $0xffff, v7  }
0x20b: {  	[tilespmem:s0+$0x60D0] =	vst.add.f32.msk $0xffff, v8  }
0x20c: {  	[tilespmem:s0+$0x60E0] =	vst.add.f32.msk $0xffff, v9  }
0x20d: {  	[tilespmem:s0+$0x60F0] =	vst.add.f32.msk $0xffff, v10  }
0x20e: {  	[tilespmem:s0+$0x6480] =	vst.add.f32.msk $0xffff, v11  }
0x20f: {  	[tilespmem:s0+$0x6490] =	vst.add.f32.msk $0xffff, v12  }
0x210: {  	[tilespmem:s0+$0x64A0] =	vst.add.f32.msk $0xffff, v13  }
0x211: {  	[tilespmem:s0+$0x64B0] =	vst.add.f32.msk $0xffff, v14  }
0x212: {  	[tilespmem:s0+$0x64C0] =	vst.add.f32.msk $0xffff, v15  }
0x213: {  	s30 =	sadd.s32 $0x1, s30;
	[tilespmem:s0+$0x64D0] =	vst.add.f32.msk $0xffff, v16  }
0x214: {  	p0 =	sne.s32 s30, s13;
	[tilespmem:s0+$0x64E0] =	vst.add.f32.msk $0xffff, v17  }
.Ltmp3:
0x215: {  	[tilespmem:s0+$0x60C0] =	vst.add.f32.msk $0xffff, v3;
	(pc) =	sbr.rel @p0 .LBB2_1-.Ltmp3, $4  }
0x216: {  	[hbm4b:s12+s3] =	stream.linear.scatter [tilespmem:s28], [sflag:$0x2], $0x6000, $0x38;
	[tilespmem:$0xC080] =	vst v63  }
0x217: {  	_ =	swait.ge [sflag:s14], $0x6000  }
0x218: {  	[sflag:s14] =	ssyncset.done $0x0  }
0x219: {  	[sflag:s14] =	ssyncadd.s32 $0xFFFFA000  }
0x21a: {  	_ =	sfence.sel $0x180000  }
0x21b: {  	[bflag:$0x0] =	sbarrier.arrive $0xFFFF  }
0x21c: {  	_ =	strace $0x9000004A  }
0x21d: {  	s0 =	stileid.u32;
	[bflag:$0x2] =	sbarrier.arrive $0xFFFF  }
0x21e: {  	p0 =	sne.s32 s0, $0x0;
	s0 =	rddreg [dreg:$0x3]  }
0x21f: {  	s0 =	sadd.s32 @!p0 $0x100000, s0  }
0x220: {  	[sflag:s0] =	ssyncadd.tile.s32 @!p0 $0x1;
	_ =	shalt  }
.Lfunc_end2:
_tile_overlayer_lowered:
.L_overlay_start_2:
0x221: {  	(tag) =	ssettag $0x2  }
0x222: {  	s0 =	rddreg [dreg:$0x0];
	s2 =	stileid.u32  }
0x223: {  	s1 =	rddreg [dreg:$0x1];
	p0 =	sne.s32 s2, $0x0  }
0x224: {  	s3 =	rddreg [dreg:$0x2];
	[bflag:$0x3] =	sbarrier.arrive $0xFFFF;
	s2 =	simm.s32 @!p0 $0x1C02  }
0x225: {  	[timem:s3], [sflag:s2] =	dma.local @!p0 [hbm:s0], s1  }
0x226: {  	s0 =	simm.s32 @!p0 $0x2  }
0x227: {  	_ =	swait.ge @!p0 [sflag:s0], s1  }
0x228: {  	s1 =	ssub.s32 @!p0 $0x0, s1;
	[sflag:s0] =	ssyncset.done @!p0 $0x0  }
0x229: {  	[sflag:s0] =	ssyncadd.s32 @!p0 s1  }
0x22a: {  	[bflag:$0x3] =	sbarrier.arrive $0xFFFF  }
0x22b: {  	_ =	shalt  }

</sc_bundles>
